<compile_context>
chip_gen: v7x
topology: tpu7x:2x2x1
jax: 0.10.2.dev20260603
libtpu: 0.0.44.dev20260713+nightly
codegen_flags: <defaults>
</compile_context>

<pallas_src>
import functools

import jax
import jax.numpy as jnp
from jax import lax
from jax.experimental import pallas as pl
from jax.experimental.pallas import tpu as pltpu
from jax.experimental.pallas import tpu_sc as plsc

HIDDEN = 128
NC = 2
NS = 16
NW = NC * NS
CHUNK = 80
NBUF = 10


def _make_gather(n_rows: int):
    assert n_rows % (NW * CHUNK) == 0
    b_per_w = n_rows // NW
    nchunks = b_per_w // CHUNK
    assert nchunks % NBUF == 0
    nrounds = nchunks // NBUF
    mesh = plsc.VectorSubcoreMesh(core_axis_name="c", subcore_axis_name="s")

    scratch = [pltpu.VMEM((nchunks, CHUNK), jnp.int32)]
    scratch += [pltpu.VMEM((NBUF * CHUNK, HIDDEN), jnp.float32)]
    scratch += [pltpu.SemaphoreType.DMA for _ in range(NBUF + NBUF // 2)]

    @functools.partial(
        pl.kernel,
        mesh=mesh,
        out_type=jax.ShapeDtypeStruct((n_rows, HIDDEN), jnp.float32),
        scratch_types=scratch,
    )
    def gather_kernel(idx_hbm, table_hbm, out_hbm, idx_v, *bufs_and_sems):
        rows = bufs_and_sems[0]
        gsem = bufs_and_sems[1:1 + NBUF]
        wsem = bufs_and_sems[1 + NBUF:]
        wid = lax.axis_index("s") * NC + lax.axis_index("c")
        base = wid * b_per_w
        pltpu.sync_copy(idx_hbm.at[wid], idx_v)

        def gather_cp(g, b):
            return pltpu.make_async_copy(
                table_hbm.at[idx_v.at[g]],
                rows.at[pl.ds(b * CHUNK, CHUNK)], gsem[b])

        def write_cp(g, p):
            dst = out_hbm.at[pl.ds(base + g * CHUNK, 2 * CHUNK)]
            return pltpu.make_async_copy(
                rows.at[pl.ds(2 * p * CHUNK, 2 * CHUNK)], dst, wsem[p])

        for b in range(NBUF):
            gather_cp(b, b).start()

        NPAIR = NBUF // 2
        PLAG = 1

        def round_body(r, carry):
            g0 = r * NBUF
            for p in range(NPAIR):
                gather_cp(g0 + 2 * p, 2 * p).wait()
                gather_cp(g0 + 2 * p + 1, 2 * p + 1).wait()
                write_cp(g0 + 2 * p, p).start()
                if p >= PLAG:
                    pp = p - PLAG
                    write_cp(g0 + 2 * pp, pp).wait()
                    gather_cp(g0 + NBUF + 2 * pp, 2 * pp).start()
                    gather_cp(g0 + NBUF + 2 * pp + 1, 2 * pp + 1).start()
            for pp in range(NPAIR - PLAG, NPAIR):
                write_cp(g0 + 2 * pp, pp).wait()
                gather_cp(g0 + NBUF + 2 * pp, 2 * pp).start()
                gather_cp(g0 + NBUF + 2 * pp + 1, 2 * pp + 1).start()
            return carry

        lax.fori_loop(0, nrounds - 1, round_body, 0)

        g0 = (nrounds - 1) * NBUF
        for p in range(NPAIR):
            gather_cp(g0 + 2 * p, 2 * p).wait()
            gather_cp(g0 + 2 * p + 1, 2 * p + 1).wait()
            write_cp(g0 + 2 * p, p).start()
        for p in range(NPAIR):
            write_cp(g0 + 2 * p, p).wait()

    return gather_kernel


def kernel(input_ids, table):
    batch, seq = input_ids.shape
    n_rows = batch * seq
    idx = input_ids.reshape(NW, n_rows // (NW * CHUNK), CHUNK).astype(jnp.int32)
    out = _make_gather(n_rows)(idx, table)
    return out.reshape(batch, seq, HIDDEN)

# --- scband reference (transcript-rebuilt; emitter-appended) ---
"""Pipeline reference for scband-toy-model-61246233641128 (READ-ONLY COPY).

The authoritative reference and input builder live on the scoring server;
editing this copy changes nothing except your own understanding.
"""

import jax, jax.numpy as jnp
import numpy as np

VOCAB = 1000000
HIDDEN = 128
BATCH = 1024
SEQ = 200

def setup_inputs(seed: int = 0) -> dict:
    key = jax.random.key(seed)
    k_ids, k_tab = jax.random.split(key)
    input_ids = jax.random.randint(k_ids, (BATCH, SEQ), 0, VOCAB, dtype=jnp.int64 if jax.config.jax_enable_x64 else jnp.int32)
    table = jax.random.normal(k_tab, (VOCAB, HIDDEN), dtype=jnp.float32) * 0.02
    return {"input_ids": input_ids, "table": table}

def reference(input_ids, table):
    # ToyModel.forward equivalent: embed_tokens(input_ids) -> identity layers -> identity norm
    hidden_states = jnp.take(table, input_ids, axis=0)
    # IdentityLayer x num_layers: (x, past_key_value) -> x unchanged
    # norm = Identity
    return hidden_states

if __name__ == "__main__":
    import jax
    _d = setup_inputs()
    print(jax.jit(kernel)(*tuple(_d.values())))

</pallas_src>

<mosaic_0001>
#map = affine_map<(d0, d1) -> (0, 0, 0)>
#map1 = affine_map<(d0, d1) -> (0, 0)>
module attributes {stable_mosaic.version = 14 : i64} {
  func.func @gather_kernel(%arg0: i32, %arg1: i32, %arg2: memref<32x80x80xi32, #tpu.memory_space<hbm>>, %arg3: memref<1000000x128xf32, #tpu.memory_space<hbm>>, %arg4: memref<204800x128xf32, #tpu.memory_space<hbm>>, %arg5: memref<80x80xi32, #tpu.memory_space<vmem>>, %arg6: memref<800x128xf32, #tpu.memory_space<vmem>>, %arg7: memref<!tpu.dma_semaphore, #tpu.memory_space<semaphore_mem>>, %arg8: memref<!tpu.dma_semaphore, #tpu.memory_space<semaphore_mem>>, %arg9: memref<!tpu.dma_semaphore, #tpu.memory_space<semaphore_mem>>, %arg10: memref<!tpu.dma_semaphore, #tpu.memory_space<semaphore_mem>>, %arg11: memref<!tpu.dma_semaphore, #tpu.memory_space<semaphore_mem>>, %arg12: memref<!tpu.dma_semaphore, #tpu.memory_space<semaphore_mem>>, %arg13: memref<!tpu.dma_semaphore, #tpu.memory_space<semaphore_mem>>, %arg14: memref<!tpu.dma_semaphore, #tpu.memory_space<semaphore_mem>>, %arg15: memref<!tpu.dma_semaphore, #tpu.memory_space<semaphore_mem>>, %arg16: memref<!tpu.dma_semaphore, #tpu.memory_space<semaphore_mem>>, %arg17: memref<!tpu.dma_semaphore, #tpu.memory_space<semaphore_mem>>, %arg18: memref<!tpu.dma_semaphore, #tpu.memory_space<semaphore_mem>>, %arg19: memref<!tpu.dma_semaphore, #tpu.memory_space<semaphore_mem>>, %arg20: memref<!tpu.dma_semaphore, #tpu.memory_space<semaphore_mem>>, %arg21: memref<!tpu.dma_semaphore, #tpu.memory_space<semaphore_mem>>) attributes {dimension_semantics = [#tpu.dimension_semantics<core_parallel>, #tpu.dimension_semantics<subcore_parallel>], iteration_bounds = array<i64: 2, 16>, scalar_prefetch = 0 : i64, scratch_operands = 17 : i64, tpu.core_type = #tpu.core_type<sc_vector_subcore>, window_params = [{transform_indices = #map}, {transform_indices = #map1}, {transform_indices = #map1}]} {
    %mul3A = arith.constant 2 : i32
    %mul3A_0 = arith.muli %arg1, %mul3A : i32
    %add3A = arith.addi %mul3A_0, %arg0 : i32
    %mul3A_1 = arith.constant 6400 : i32
    %mul3A_2 = arith.muli %add3A, %mul3A_1 : i32
    "tpu.region"() ({
      %run_scoped3A = tpu.sem_alloc : memref<!tpu.dma_semaphore, #tpu.memory_space<semaphore_mem>>
      %dma_start3A_326 = arith.constant 0 : i32
      %dma_start3A_327 = arith.constant 0 : i32
      %dma_start3A_328 = tpu.memref_slice %arg2[%add3A, %dma_start3A_326, %dma_start3A_327] : memref<32x80x80xi32, #tpu.memory_space<hbm>> -> memref<1x80x80xi32, #tpu.memory_space<hbm>>
      %dma_start3A_329 = tpu.memref_squeeze %dma_start3A_328 : memref<1x80x80xi32, #tpu.memory_space<hbm>> -> memref<80x80xi32, #tpu.memory_space<hbm>>
      %dma_start3A_330 = arith.constant 0 : i32
      %dma_start3A_331 = arith.constant 0 : i32
      %dma_start3A_332 = tpu.memref_slice %arg2[%add3A, %dma_start3A_330, %dma_start3A_331] : memref<32x80x80xi32, #tpu.memory_space<hbm>> -> memref<1x80x80xi32, #tpu.memory_space<hbm>>
      %dma_start3A_333 = tpu.memref_squeeze %dma_start3A_332 : memref<1x80x80xi32, #tpu.memory_space<hbm>> -> memref<80x80xi32, #tpu.memory_space<hbm>>
      tpu.enqueue_dma source(%dma_start3A_333 : memref<80x80xi32, #tpu.memory_space<hbm>>) target(%arg5 : memref<80x80xi32, #tpu.memory_space<vmem>>) target_semaphore(%run_scoped3A : memref<!tpu.dma_semaphore, #tpu.memory_space<semaphore_mem>>)
      %dma_wait3A_334 = arith.constant 0 : i32
      %dma_wait3A_335 = arith.constant 0 : i32
      %dma_wait3A_336 = tpu.memref_slice %arg2[%add3A, %dma_wait3A_334, %dma_wait3A_335] : memref<32x80x80xi32, #tpu.memory_space<hbm>> -> memref<1x80x80xi32, #tpu.memory_space<hbm>>
      %dma_wait3A_337 = tpu.memref_squeeze %dma_wait3A_336 : memref<1x80x80xi32, #tpu.memory_space<hbm>> -> memref<80x80xi32, #tpu.memory_space<hbm>>
      %dma_wait3A_338 = arith.constant 0 : i32
      %dma_wait3A_339 = arith.constant 0 : i32
      %dma_wait3A_340 = tpu.memref_slice %arg2[%add3A, %dma_wait3A_338, %dma_wait3A_339] : memref<32x80x80xi32, #tpu.memory_space<hbm>> -> memref<1x80x80xi32, #tpu.memory_space<hbm>>
      %dma_wait3A_341 = tpu.memref_squeeze %dma_wait3A_340 : memref<1x80x80xi32, #tpu.memory_space<hbm>> -> memref<80x80xi32, #tpu.memory_space<hbm>>
      tpu.wait_dma2 semaphore(%run_scoped3A : memref<!tpu.dma_semaphore, #tpu.memory_space<semaphore_mem>>) src(%dma_wait3A_341 : memref<80x80xi32, #tpu.memory_space<hbm>>) dst(%arg5 : memref<80x80xi32, #tpu.memory_space<vmem>>)
      tpu.yield
    }) : () -> ()
    %dma_start3A = arith.constant 0 : i32
    %dma_start3A_3 = arith.constant 0 : i32
    %dma_start3A_4 = arith.constant 0 : i32
    %dma_start3A_5 = tpu.memref_slice %arg6[%dma_start3A_3, %dma_start3A_4] : memref<800x128xf32, #tpu.memory_space<vmem>> -> memref<80x128xf32, #tpu.memory_space<vmem>>
    %dma_start3A_6 = arith.constant 0 : i32
    %dma_start3A_7 = tpu.memref_slice %arg5[%dma_start3A, %dma_start3A_6] : memref<80x80xi32, #tpu.memory_space<vmem>> -> memref<1x80xi32, #tpu.memory_space<vmem>>
    %dma_start3A_8 = tpu.memref_squeeze %dma_start3A_7 : memref<1x80xi32, #tpu.memory_space<vmem>> -> memref<80xi32, #tpu.memory_space<vmem>>
    %dma_start3A_9 = arith.constant 0 : i32
    %dma_start3A_10 = arith.constant 0 : i32
    %dma_start3A_11 = tpu.memref_slice %arg3[%dma_start3A_9, %dma_start3A_10] : memref<1000000x128xf32, #tpu.memory_space<hbm>> -> memref<1000000x128xf32, #tpu.memory_space<hbm>>
    tpu.enqueue_indirect_dma source(%dma_start3A_11 : memref<1000000x128xf32, #tpu.memory_space<hbm>>) target(%dma_start3A_5 : memref<80x128xf32, #tpu.memory_space<vmem>>) offsets(%dma_start3A_8 : memref<80xi32, #tpu.memory_space<vmem>>) semaphore(%arg7 : memref<!tpu.dma_semaphore, #tpu.memory_space<semaphore_mem>>)
    %dma_start3A_12 = arith.constant 1 : i32
    %dma_start3A_13 = arith.constant 80 : i32
    %dma_start3A_14 = arith.constant 0 : i32
    %dma_start3A_15 = tpu.memref_slice %arg6[%dma_start3A_13, %dma_start3A_14] : memref<800x128xf32, #tpu.memory_space<vmem>> -> memref<80x128xf32, #tpu.memory_space<vmem>>
    %dma_start3A_16 = arith.constant 0 : i32
    %dma_start3A_17 = tpu.memref_slice %arg5[%dma_start3A_12, %dma_start3A_16] : memref<80x80xi32, #tpu.memory_space<vmem>> -> memref<1x80xi32, #tpu.memory_space<vmem>>
    %dma_start3A_18 = tpu.memref_squeeze %dma_start3A_17 : memref<1x80xi32, #tpu.memory_space<vmem>> -> memref<80xi32, #tpu.memory_space<vmem>>
    %dma_start3A_19 = arith.constant 0 : i32
    %dma_start3A_20 = arith.constant 0 : i32
    %dma_start3A_21 = tpu.memref_slice %arg3[%dma_start3A_19, %dma_start3A_20] : memref<1000000x128xf32, #tpu.memory_space<hbm>> -> memref<1000000x128xf32, #tpu.memory_space<hbm>>
    tpu.enqueue_indirect_dma source(%dma_start3A_21 : memref<1000000x128xf32, #tpu.memory_space<hbm>>) target(%dma_start3A_15 : memref<80x128xf32, #tpu.memory_space<vmem>>) offsets(%dma_start3A_18 : memref<80xi32, #tpu.memory_space<vmem>>) semaphore(%arg8 : memref<!tpu.dma_semaphore, #tpu.memory_space<semaphore_mem>>)
    %dma_start3A_22 = arith.constant 2 : i32
    %dma_start3A_23 = arith.constant 160 : i32
    %dma_start3A_24 = arith.constant 0 : i32
    %dma_start3A_25 = tpu.memref_slice %arg6[%dma_start3A_23, %dma_start3A_24] : memref<800x128xf32, #tpu.memory_space<vmem>> -> memref<80x128xf32, #tpu.memory_space<vmem>>
    %dma_start3A_26 = arith.constant 0 : i32
    %dma_start3A_27 = tpu.memref_slice %arg5[%dma_start3A_22, %dma_start3A_26] : memref<80x80xi32, #tpu.memory_space<vmem>> -> memref<1x80xi32, #tpu.memory_space<vmem>>
    %dma_start3A_28 = tpu.memref_squeeze %dma_start3A_27 : memref<1x80xi32, #tpu.memory_space<vmem>> -> memref<80xi32, #tpu.memory_space<vmem>>
    %dma_start3A_29 = arith.constant 0 : i32
    %dma_start3A_30 = arith.constant 0 : i32
    %dma_start3A_31 = tpu.memref_slice %arg3[%dma_start3A_29, %dma_start3A_30] : memref<1000000x128xf32, #tpu.memory_space<hbm>> -> memref<1000000x128xf32, #tpu.memory_space<hbm>>
    tpu.enqueue_indirect_dma source(%dma_start3A_31 : memref<1000000x128xf32, #tpu.memory_space<hbm>>) target(%dma_start3A_25 : memref<80x128xf32, #tpu.memory_space<vmem>>) offsets(%dma_start3A_28 : memref<80xi32, #tpu.memory_space<vmem>>) semaphore(%arg9 : memref<!tpu.dma_semaphore, #tpu.memory_space<semaphore_mem>>)
    %dma_start3A_32 = arith.constant 3 : i32
    %dma_start3A_33 = arith.constant 240 : i32
    %dma_start3A_34 = arith.constant 0 : i32
    %dma_start3A_35 = tpu.memref_slice %arg6[%dma_start3A_33, %dma_start3A_34] : memref<800x128xf32, #tpu.memory_space<vmem>> -> memref<80x128xf32, #tpu.memory_space<vmem>>
    %dma_start3A_36 = arith.constant 0 : i32
    %dma_start3A_37 = tpu.memref_slice %arg5[%dma_start3A_32, %dma_start3A_36] : memref<80x80xi32, #tpu.memory_space<vmem>> -> memref<1x80xi32, #tpu.memory_space<vmem>>
    %dma_start3A_38 = tpu.memref_squeeze %dma_start3A_37 : memref<1x80xi32, #tpu.memory_space<vmem>> -> memref<80xi32, #tpu.memory_space<vmem>>
    %dma_start3A_39 = arith.constant 0 : i32
    %dma_start3A_40 = arith.constant 0 : i32
    %dma_start3A_41 = tpu.memref_slice %arg3[%dma_start3A_39, %dma_start3A_40] : memref<1000000x128xf32, #tpu.memory_space<hbm>> -> memref<1000000x128xf32, #tpu.memory_space<hbm>>
    tpu.enqueue_indirect_dma source(%dma_start3A_41 : memref<1000000x128xf32, #tpu.memory_space<hbm>>) target(%dma_start3A_35 : memref<80x128xf32, #tpu.memory_space<vmem>>) offsets(%dma_start3A_38 : memref<80xi32, #tpu.memory_space<vmem>>) semaphore(%arg10 : memref<!tpu.dma_semaphore, #tpu.memory_space<semaphore_mem>>)
    %dma_start3A_42 = arith.constant 4 : i32
    %dma_start3A_43 = arith.constant 320 : i32
    %dma_start3A_44 = arith.constant 0 : i32
    %dma_start3A_45 = tpu.memref_slice %arg6[%dma_start3A_43, %dma_start3A_44] : memref<800x128xf32, #tpu.memory_space<vmem>> -> memref<80x128xf32, #tpu.memory_space<vmem>>
    %dma_start3A_46 = arith.constant 0 : i32
    %dma_start3A_47 = tpu.memref_slice %arg5[%dma_start3A_42, %dma_start3A_46] : memref<80x80xi32, #tpu.memory_space<vmem>> -> memref<1x80xi32, #tpu.memory_space<vmem>>
    %dma_start3A_48 = tpu.memref_squeeze %dma_start3A_47 : memref<1x80xi32, #tpu.memory_space<vmem>> -> memref<80xi32, #tpu.memory_space<vmem>>
    %dma_start3A_49 = arith.constant 0 : i32
    %dma_start3A_50 = arith.constant 0 : i32
    %dma_start3A_51 = tpu.memref_slice %arg3[%dma_start3A_49, %dma_start3A_50] : memref<1000000x128xf32, #tpu.memory_space<hbm>> -> memref<1000000x128xf32, #tpu.memory_space<hbm>>
    tpu.enqueue_indirect_dma source(%dma_start3A_51 : memref<1000000x128xf32, #tpu.memory_space<hbm>>) target(%dma_start3A_45 : memref<80x128xf32, #tpu.memory_space<vmem>>) offsets(%dma_start3A_48 : memref<80xi32, #tpu.memory_space<vmem>>) semaphore(%arg11 : memref<!tpu.dma_semaphore, #tpu.memory_space<semaphore_mem>>)
    %dma_start3A_52 = arith.constant 5 : i32
    %dma_start3A_53 = arith.constant 400 : i32
    %dma_start3A_54 = arith.constant 0 : i32
    %dma_start3A_55 = tpu.memref_slice %arg6[%dma_start3A_53, %dma_start3A_54] : memref<800x128xf32, #tpu.memory_space<vmem>> -> memref<80x128xf32, #tpu.memory_space<vmem>>
    %dma_start3A_56 = arith.constant 0 : i32
    %dma_start3A_57 = tpu.memref_slice %arg5[%dma_start3A_52, %dma_start3A_56] : memref<80x80xi32, #tpu.memory_space<vmem>> -> memref<1x80xi32, #tpu.memory_space<vmem>>
    %dma_start3A_58 = tpu.memref_squeeze %dma_start3A_57 : memref<1x80xi32, #tpu.memory_space<vmem>> -> memref<80xi32, #tpu.memory_space<vmem>>
    %dma_start3A_59 = arith.constant 0 : i32
    %dma_start3A_60 = arith.constant 0 : i32
    %dma_start3A_61 = tpu.memref_slice %arg3[%dma_start3A_59, %dma_start3A_60] : memref<1000000x128xf32, #tpu.memory_space<hbm>> -> memref<1000000x128xf32, #tpu.memory_space<hbm>>
    tpu.enqueue_indirect_dma source(%dma_start3A_61 : memref<1000000x128xf32, #tpu.memory_space<hbm>>) target(%dma_start3A_55 : memref<80x128xf32, #tpu.memory_space<vmem>>) offsets(%dma_start3A_58 : memref<80xi32, #tpu.memory_space<vmem>>) semaphore(%arg12 : memref<!tpu.dma_semaphore, #tpu.memory_space<semaphore_mem>>)
    %dma_start3A_62 = arith.constant 6 : i32
    %dma_start3A_63 = arith.constant 480 : i32
    %dma_start3A_64 = arith.constant 0 : i32
    %dma_start3A_65 = tpu.memref_slice %arg6[%dma_start3A_63, %dma_start3A_64] : memref<800x128xf32, #tpu.memory_space<vmem>> -> memref<80x128xf32, #tpu.memory_space<vmem>>
    %dma_start3A_66 = arith.constant 0 : i32
    %dma_start3A_67 = tpu.memref_slice %arg5[%dma_start3A_62, %dma_start3A_66] : memref<80x80xi32, #tpu.memory_space<vmem>> -> memref<1x80xi32, #tpu.memory_space<vmem>>
    %dma_start3A_68 = tpu.memref_squeeze %dma_start3A_67 : memref<1x80xi32, #tpu.memory_space<vmem>> -> memref<80xi32, #tpu.memory_space<vmem>>
    %dma_start3A_69 = arith.constant 0 : i32
    %dma_start3A_70 = arith.constant 0 : i32
    %dma_start3A_71 = tpu.memref_slice %arg3[%dma_start3A_69, %dma_start3A_70] : memref<1000000x128xf32, #tpu.memory_space<hbm>> -> memref<1000000x128xf32, #tpu.memory_space<hbm>>
    tpu.enqueue_indirect_dma source(%dma_start3A_71 : memref<1000000x128xf32, #tpu.memory_space<hbm>>) target(%dma_start3A_65 : memref<80x128xf32, #tpu.memory_space<vmem>>) offsets(%dma_start3A_68 : memref<80xi32, #tpu.memory_space<vmem>>) semaphore(%arg13 : memref<!tpu.dma_semaphore, #tpu.memory_space<semaphore_mem>>)
    %dma_start3A_72 = arith.constant 7 : i32
    %dma_start3A_73 = arith.constant 560 : i32
    %dma_start3A_74 = arith.constant 0 : i32
    %dma_start3A_75 = tpu.memref_slice %arg6[%dma_start3A_73, %dma_start3A_74] : memref<800x128xf32, #tpu.memory_space<vmem>> -> memref<80x128xf32, #tpu.memory_space<vmem>>
    %dma_start3A_76 = arith.constant 0 : i32
    %dma_start3A_77 = tpu.memref_slice %arg5[%dma_start3A_72, %dma_start3A_76] : memref<80x80xi32, #tpu.memory_space<vmem>> -> memref<1x80xi32, #tpu.memory_space<vmem>>
    %dma_start3A_78 = tpu.memref_squeeze %dma_start3A_77 : memref<1x80xi32, #tpu.memory_space<vmem>> -> memref<80xi32, #tpu.memory_space<vmem>>
    %dma_start3A_79 = arith.constant 0 : i32
    %dma_start3A_80 = arith.constant 0 : i32
    %dma_start3A_81 = tpu.memref_slice %arg3[%dma_start3A_79, %dma_start3A_80] : memref<1000000x128xf32, #tpu.memory_space<hbm>> -> memref<1000000x128xf32, #tpu.memory_space<hbm>>
    tpu.enqueue_indirect_dma source(%dma_start3A_81 : memref<1000000x128xf32, #tpu.memory_space<hbm>>) target(%dma_start3A_75 : memref<80x128xf32, #tpu.memory_space<vmem>>) offsets(%dma_start3A_78 : memref<80xi32, #tpu.memory_space<vmem>>) semaphore(%arg14 : memref<!tpu.dma_semaphore, #tpu.memory_space<semaphore_mem>>)
    %dma_start3A_82 = arith.constant 8 : i32
    %dma_start3A_83 = arith.constant 640 : i32
    %dma_start3A_84 = arith.constant 0 : i32
    %dma_start3A_85 = tpu.memref_slice %arg6[%dma_start3A_83, %dma_start3A_84] : memref<800x128xf32, #tpu.memory_space<vmem>> -> memref<80x128xf32, #tpu.memory_space<vmem>>
    %dma_start3A_86 = arith.constant 0 : i32
    %dma_start3A_87 = tpu.memref_slice %arg5[%dma_start3A_82, %dma_start3A_86] : memref<80x80xi32, #tpu.memory_space<vmem>> -> memref<1x80xi32, #tpu.memory_space<vmem>>
    %dma_start3A_88 = tpu.memref_squeeze %dma_start3A_87 : memref<1x80xi32, #tpu.memory_space<vmem>> -> memref<80xi32, #tpu.memory_space<vmem>>
    %dma_start3A_89 = arith.constant 0 : i32
    %dma_start3A_90 = arith.constant 0 : i32
    %dma_start3A_91 = tpu.memref_slice %arg3[%dma_start3A_89, %dma_start3A_90] : memref<1000000x128xf32, #tpu.memory_space<hbm>> -> memref<1000000x128xf32, #tpu.memory_space<hbm>>
    tpu.enqueue_indirect_dma source(%dma_start3A_91 : memref<1000000x128xf32, #tpu.memory_space<hbm>>) target(%dma_start3A_85 : memref<80x128xf32, #tpu.memory_space<vmem>>) offsets(%dma_start3A_88 : memref<80xi32, #tpu.memory_space<vmem>>) semaphore(%arg15 : memref<!tpu.dma_semaphore, #tpu.memory_space<semaphore_mem>>)
    %dma_start3A_92 = arith.constant 9 : i32
    %dma_start3A_93 = arith.constant 720 : i32
    %dma_start3A_94 = arith.constant 0 : i32
    %dma_start3A_95 = tpu.memref_slice %arg6[%dma_start3A_93, %dma_start3A_94] : memref<800x128xf32, #tpu.memory_space<vmem>> -> memref<80x128xf32, #tpu.memory_space<vmem>>
    %dma_start3A_96 = arith.constant 0 : i32
    %dma_start3A_97 = tpu.memref_slice %arg5[%dma_start3A_92, %dma_start3A_96] : memref<80x80xi32, #tpu.memory_space<vmem>> -> memref<1x80xi32, #tpu.memory_space<vmem>>
    %dma_start3A_98 = tpu.memref_squeeze %dma_start3A_97 : memref<1x80xi32, #tpu.memory_space<vmem>> -> memref<80xi32, #tpu.memory_space<vmem>>
    %dma_start3A_99 = arith.constant 0 : i32
    %dma_start3A_100 = arith.constant 0 : i32
    %dma_start3A_101 = tpu.memref_slice %arg3[%dma_start3A_99, %dma_start3A_100] : memref<1000000x128xf32, #tpu.memory_space<hbm>> -> memref<1000000x128xf32, #tpu.memory_space<hbm>>
    tpu.enqueue_indirect_dma source(%dma_start3A_101 : memref<1000000x128xf32, #tpu.memory_space<hbm>>) target(%dma_start3A_95 : memref<80x128xf32, #tpu.memory_space<vmem>>) offsets(%dma_start3A_98 : memref<80xi32, #tpu.memory_space<vmem>>) semaphore(%arg16 : memref<!tpu.dma_semaphore, #tpu.memory_space<semaphore_mem>>)
    %scan3A = arith.constant 0 : i32
    %scan3A_102 = arith.constant 0 : i32
    %scan3A_103 = arith.constant 7 : i32
    %scan3A_104 = arith.addi %scan3A_102, %scan3A_103 : i32
    %scan3A_105 = arith.constant 1 : i32
    scf.for %scan3A_326 = %scan3A_102 to %scan3A_104 step %scan3A_105  : i32 {
      %mul3A_327 = arith.constant 10 : i32
      %mul3A_328 = arith.muli %scan3A_326, %mul3A_327 : i32
      %add3A_329 = arith.constant 0 : i32
      %add3A_330 = arith.addi %mul3A_328, %add3A_329 : i32
      %dma_wait3A_331 = arith.constant 0 : i32
      %dma_wait3A_332 = arith.constant 0 : i32
      %dma_wait3A_333 = tpu.memref_slice %arg6[%dma_wait3A_331, %dma_wait3A_332] : memref<800x128xf32, #tpu.memory_space<vmem>> -> memref<80x128xf32, #tpu.memory_space<vmem>>
      %dma_wait3A_334 = arith.constant 0 : i32
      %dma_wait3A_335 = tpu.memref_slice %arg5[%add3A_330, %dma_wait3A_334] : memref<80x80xi32, #tpu.memory_space<vmem>> -> memref<1x80xi32, #tpu.memory_space<vmem>>
      %dma_wait3A_336 = tpu.memref_squeeze %dma_wait3A_335 : memref<1x80xi32, #tpu.memory_space<vmem>> -> memref<80xi32, #tpu.memory_space<vmem>>
      %dma_wait3A_337 = arith.constant 0 : i32
      %dma_wait3A_338 = arith.constant 0 : i32
      %dma_wait3A_339 = tpu.memref_slice %arg3[%dma_wait3A_337, %dma_wait3A_338] : memref<1000000x128xf32, #tpu.memory_space<hbm>> -> memref<1000000x128xf32, #tpu.memory_space<hbm>>
      tpu.wait_indirect_dma semaphore(%arg7 : memref<!tpu.dma_semaphore, #tpu.memory_space<semaphore_mem>>) src(%dma_wait3A_339 : memref<1000000x128xf32, #tpu.memory_space<hbm>>) dst(%dma_wait3A_333 : memref<80x128xf32, #tpu.memory_space<vmem>>)
      %add3A_340 = arith.constant 0 : i32
      %add3A_341 = arith.addi %mul3A_328, %add3A_340 : i32
      %add3A_342 = arith.constant 1 : i32
      %add3A_343 = arith.addi %add3A_341, %add3A_342 : i32
      %dma_wait3A_344 = arith.constant 80 : i32
      %dma_wait3A_345 = arith.constant 0 : i32
      %dma_wait3A_346 = tpu.memref_slice %arg6[%dma_wait3A_344, %dma_wait3A_345] : memref<800x128xf32, #tpu.memory_space<vmem>> -> memref<80x128xf32, #tpu.memory_space<vmem>>
      %dma_wait3A_347 = arith.constant 0 : i32
      %dma_wait3A_348 = tpu.memref_slice %arg5[%add3A_343, %dma_wait3A_347] : memref<80x80xi32, #tpu.memory_space<vmem>> -> memref<1x80xi32, #tpu.memory_space<vmem>>
      %dma_wait3A_349 = tpu.memref_squeeze %dma_wait3A_348 : memref<1x80xi32, #tpu.memory_space<vmem>> -> memref<80xi32, #tpu.memory_space<vmem>>
      %dma_wait3A_350 = arith.constant 0 : i32
      %dma_wait3A_351 = arith.constant 0 : i32
      %dma_wait3A_352 = tpu.memref_slice %arg3[%dma_wait3A_350, %dma_wait3A_351] : memref<1000000x128xf32, #tpu.memory_space<hbm>> -> memref<1000000x128xf32, #tpu.memory_space<hbm>>
      tpu.wait_indirect_dma semaphore(%arg8 : memref<!tpu.dma_semaphore, #tpu.memory_space<semaphore_mem>>) src(%dma_wait3A_352 : memref<1000000x128xf32, #tpu.memory_space<hbm>>) dst(%dma_wait3A_346 : memref<80x128xf32, #tpu.memory_space<vmem>>)
      %add3A_353 = arith.constant 0 : i32
      %add3A_354 = arith.addi %mul3A_328, %add3A_353 : i32
      %mul3A_355 = arith.constant 80 : i32
      %mul3A_356 = arith.muli %add3A_354, %mul3A_355 : i32
      %add3A_357 = arith.addi %mul3A_2, %mul3A_356 : i32
      %dma_start3A_358 = arith.constant 0 : i32
      %dma_start3A_359 = arith.constant 0 : i32
      %dma_start3A_360 = tpu.memref_slice %arg6[%dma_start3A_358, %dma_start3A_359] : memref<800x128xf32, #tpu.memory_space<vmem>> -> memref<160x128xf32, #tpu.memory_space<vmem>>
      %dma_start3A_361 = arith.constant 0 : i32
      %dma_start3A_362 = tpu.memref_slice %arg4[%add3A_357, %dma_start3A_361] : memref<204800x128xf32, #tpu.memory_space<hbm>> -> memref<160x128xf32, #tpu.memory_space<hbm>>
      %dma_start3A_363 = arith.constant 0 : i32
      %dma_start3A_364 = tpu.memref_slice %arg4[%add3A_357, %dma_start3A_363] : memref<204800x128xf32, #tpu.memory_space<hbm>> -> memref<160x128xf32, #tpu.memory_space<hbm>>
      %dma_start3A_365 = arith.constant 0 : i32
      %dma_start3A_366 = arith.constant 0 : i32
      %dma_start3A_367 = tpu.memref_slice %arg6[%dma_start3A_365, %dma_start3A_366] : memref<800x128xf32, #tpu.memory_space<vmem>> -> memref<160x128xf32, #tpu.memory_space<vmem>>
      tpu.enqueue_dma source(%dma_start3A_367 : memref<160x128xf32, #tpu.memory_space<vmem>>) target(%dma_start3A_364 : memref<160x128xf32, #tpu.memory_space<hbm>>) target_semaphore(%arg17 : memref<!tpu.dma_semaphore, #tpu.memory_space<semaphore_mem>>)
      %add3A_368 = arith.constant 2 : i32
      %add3A_369 = arith.addi %mul3A_328, %add3A_368 : i32
      %dma_wait3A_370 = arith.constant 160 : i32
      %dma_wait3A_371 = arith.constant 0 : i32
      %dma_wait3A_372 = tpu.memref_slice %arg6[%dma_wait3A_370, %dma_wait3A_371] : memref<800x128xf32, #tpu.memory_space<vmem>> -> memref<80x128xf32, #tpu.memory_space<vmem>>
      %dma_wait3A_373 = arith.constant 0 : i32
      %dma_wait3A_374 = tpu.memref_slice %arg5[%add3A_369, %dma_wait3A_373] : memref<80x80xi32, #tpu.memory_space<vmem>> -> memref<1x80xi32, #tpu.memory_space<vmem>>
      %dma_wait3A_375 = tpu.memref_squeeze %dma_wait3A_374 : memref<1x80xi32, #tpu.memory_space<vmem>> -> memref<80xi32, #tpu.memory_space<vmem>>
      %dma_wait3A_376 = arith.constant 0 : i32
      %dma_wait3A_377 = arith.constant 0 : i32
      %dma_wait3A_378 = tpu.memref_slice %arg3[%dma_wait3A_376, %dma_wait3A_377] : memref<1000000x128xf32, #tpu.memory_space<hbm>> -> memref<1000000x128xf32, #tpu.memory_space<hbm>>
      tpu.wait_indirect_dma semaphore(%arg9 : memref<!tpu.dma_semaphore, #tpu.memory_space<semaphore_mem>>) src(%dma_wait3A_378 : memref<1000000x128xf32, #tpu.memory_space<hbm>>) dst(%dma_wait3A_372 : memref<80x128xf32, #tpu.memory_space<vmem>>)
      %add3A_379 = arith.constant 2 : i32
      %add3A_380 = arith.addi %mul3A_328, %add3A_379 : i32
      %add3A_381 = arith.constant 1 : i32
      %add3A_382 = arith.addi %add3A_380, %add3A_381 : i32
      %dma_wait3A_383 = arith.constant 240 : i32
      %dma_wait3A_384 = arith.constant 0 : i32
      %dma_wait3A_385 = tpu.memref_slice %arg6[%dma_wait3A_383, %dma_wait3A_384] : memref<800x128xf32, #tpu.memory_space<vmem>> -> memref<80x128xf32, #tpu.memory_space<vmem>>
      %dma_wait3A_386 = arith.constant 0 : i32
      %dma_wait3A_387 = tpu.memref_slice %arg5[%add3A_382, %dma_wait3A_386] : memref<80x80xi32, #tpu.memory_space<vmem>> -> memref<1x80xi32, #tpu.memory_space<vmem>>
      %dma_wait3A_388 = tpu.memref_squeeze %dma_wait3A_387 : memref<1x80xi32, #tpu.memory_space<vmem>> -> memref<80xi32, #tpu.memory_space<vmem>>
      %dma_wait3A_389 = arith.constant 0 : i32
      %dma_wait3A_390 = arith.constant 0 : i32
      %dma_wait3A_391 = tpu.memref_slice %arg3[%dma_wait3A_389, %dma_wait3A_390] : memref<1000000x128xf32, #tpu.memory_space<hbm>> -> memref<1000000x128xf32, #tpu.memory_space<hbm>>
      tpu.wait_indirect_dma semaphore(%arg10 : memref<!tpu.dma_semaphore, #tpu.memory_space<semaphore_mem>>) src(%dma_wait3A_391 : memref<1000000x128xf32, #tpu.memory_space<hbm>>) dst(%dma_wait3A_385 : memref<80x128xf32, #tpu.memory_space<vmem>>)
      %add3A_392 = arith.constant 2 : i32
      %add3A_393 = arith.addi %mul3A_328, %add3A_392 : i32
      %mul3A_394 = arith.constant 80 : i32
      %mul3A_395 = arith.muli %add3A_393, %mul3A_394 : i32
      %add3A_396 = arith.addi %mul3A_2, %mul3A_395 : i32
      %dma_start3A_397 = arith.constant 160 : i32
      %dma_start3A_398 = arith.constant 0 : i32
      %dma_start3A_399 = tpu.memref_slice %arg6[%dma_start3A_397, %dma_start3A_398] : memref<800x128xf32, #tpu.memory_space<vmem>> -> memref<160x128xf32, #tpu.memory_space<vmem>>
      %dma_start3A_400 = arith.constant 0 : i32
      %dma_start3A_401 = tpu.memref_slice %arg4[%add3A_396, %dma_start3A_400] : memref<204800x128xf32, #tpu.memory_space<hbm>> -> memref<160x128xf32, #tpu.memory_space<hbm>>
      %dma_start3A_402 = arith.constant 0 : i32
      %dma_start3A_403 = tpu.memref_slice %arg4[%add3A_396, %dma_start3A_402] : memref<204800x128xf32, #tpu.memory_space<hbm>> -> memref<160x128xf32, #tpu.memory_space<hbm>>
      %dma_start3A_404 = arith.constant 160 : i32
      %dma_start3A_405 = arith.constant 0 : i32
      %dma_start3A_406 = tpu.memref_slice %arg6[%dma_start3A_404, %dma_start3A_405] : memref<800x128xf32, #tpu.memory_space<vmem>> -> memref<160x128xf32, #tpu.memory_space<vmem>>
      tpu.enqueue_dma source(%dma_start3A_406 : memref<160x128xf32, #tpu.memory_space<vmem>>) target(%dma_start3A_403 : memref<160x128xf32, #tpu.memory_space<hbm>>) target_semaphore(%arg18 : memref<!tpu.dma_semaphore, #tpu.memory_space<semaphore_mem>>)
      %add3A_407 = arith.constant 0 : i32
      %add3A_408 = arith.addi %mul3A_328, %add3A_407 : i32
      %mul3A_409 = arith.constant 80 : i32
      %mul3A_410 = arith.muli %add3A_408, %mul3A_409 : i32
      %add3A_411 = arith.addi %mul3A_2, %mul3A_410 : i32
      %dma_wait3A_412 = arith.constant 0 : i32
      %dma_wait3A_413 = arith.constant 0 : i32
      %dma_wait3A_414 = tpu.memref_slice %arg6[%dma_wait3A_412, %dma_wait3A_413] : memref<800x128xf32, #tpu.memory_space<vmem>> -> memref<160x128xf32, #tpu.memory_space<vmem>>
      %dma_wait3A_415 = arith.constant 0 : i32
      %dma_wait3A_416 = tpu.memref_slice %arg4[%add3A_411, %dma_wait3A_415] : memref<204800x128xf32, #tpu.memory_space<hbm>> -> memref<160x128xf32, #tpu.memory_space<hbm>>
      %dma_wait3A_417 = arith.constant 0 : i32
      %dma_wait3A_418 = tpu.memref_slice %arg4[%add3A_411, %dma_wait3A_417] : memref<204800x128xf32, #tpu.memory_space<hbm>> -> memref<160x128xf32, #tpu.memory_space<hbm>>
      %dma_wait3A_419 = arith.constant 0 : i32
      %dma_wait3A_420 = arith.constant 0 : i32
      %dma_wait3A_421 = tpu.memref_slice %arg6[%dma_wait3A_419, %dma_wait3A_420] : memref<800x128xf32, #tpu.memory_space<vmem>> -> memref<160x128xf32, #tpu.memory_space<vmem>>
      tpu.wait_dma2 semaphore(%arg17 : memref<!tpu.dma_semaphore, #tpu.memory_space<semaphore_mem>>) src(%dma_wait3A_421 : memref<160x128xf32, #tpu.memory_space<vmem>>) dst(%dma_wait3A_418 : memref<160x128xf32, #tpu.memory_space<hbm>>)
      %add3A_422 = arith.constant 10 : i32
      %add3A_423 = arith.addi %mul3A_328, %add3A_422 : i32
      %add3A_424 = arith.constant 0 : i32
      %add3A_425 = arith.addi %add3A_423, %add3A_424 : i32
      %dma_start3A_426 = arith.constant 0 : i32
      %dma_start3A_427 = arith.constant 0 : i32
      %dma_start3A_428 = tpu.memref_slice %arg6[%dma_start3A_426, %dma_start3A_427] : memref<800x128xf32, #tpu.memory_space<vmem>> -> memref<80x128xf32, #tpu.memory_space<vmem>>
      %dma_start3A_429 = arith.constant 0 : i32
      %dma_start3A_430 = tpu.memref_slice %arg5[%add3A_425, %dma_start3A_429] : memref<80x80xi32, #tpu.memory_space<vmem>> -> memref<1x80xi32, #tpu.memory_space<vmem>>
      %dma_start3A_431 = tpu.memref_squeeze %dma_start3A_430 : memref<1x80xi32, #tpu.memory_space<vmem>> -> memref<80xi32, #tpu.memory_space<vmem>>
      %dma_start3A_432 = arith.constant 0 : i32
      %dma_start3A_433 = arith.constant 0 : i32
      %dma_start3A_434 = tpu.memref_slice %arg3[%dma_start3A_432, %dma_start3A_433] : memref<1000000x128xf32, #tpu.memory_space<hbm>> -> memref<1000000x128xf32, #tpu.memory_space<hbm>>
      tpu.enqueue_indirect_dma source(%dma_start3A_434 : memref<1000000x128xf32, #tpu.memory_space<hbm>>) target(%dma_start3A_428 : memref<80x128xf32, #tpu.memory_space<vmem>>) offsets(%dma_start3A_431 : memref<80xi32, #tpu.memory_space<vmem>>) semaphore(%arg7 : memref<!tpu.dma_semaphore, #tpu.memory_space<semaphore_mem>>)
      %add3A_435 = arith.constant 10 : i32
      %add3A_436 = arith.addi %mul3A_328, %add3A_435 : i32
      %add3A_437 = arith.constant 0 : i32
      %add3A_438 = arith.addi %add3A_436, %add3A_437 : i32
      %add3A_439 = arith.constant 1 : i32
      %add3A_440 = arith.addi %add3A_438, %add3A_439 : i32
      %dma_start3A_441 = arith.constant 80 : i32
      %dma_start3A_442 = arith.constant 0 : i32
      %dma_start3A_443 = tpu.memref_slice %arg6[%dma_start3A_441, %dma_start3A_442] : memref<800x128xf32, #tpu.memory_space<vmem>> -> memref<80x128xf32, #tpu.memory_space<vmem>>
      %dma_start3A_444 = arith.constant 0 : i32
      %dma_start3A_445 = tpu.memref_slice %arg5[%add3A_440, %dma_start3A_444] : memref<80x80xi32, #tpu.memory_space<vmem>> -> memref<1x80xi32, #tpu.memory_space<vmem>>
      %dma_start3A_446 = tpu.memref_squeeze %dma_start3A_445 : memref<1x80xi32, #tpu.memory_space<vmem>> -> memref<80xi32, #tpu.memory_space<vmem>>
      %dma_start3A_447 = arith.constant 0 : i32
      %dma_start3A_448 = arith.constant 0 : i32
      %dma_start3A_449 = tpu.memref_slice %arg3[%dma_start3A_447, %dma_start3A_448] : memref<1000000x128xf32, #tpu.memory_space<hbm>> -> memref<1000000x128xf32, #tpu.memory_space<hbm>>
      tpu.enqueue_indirect_dma source(%dma_start3A_449 : memref<1000000x128xf32, #tpu.memory_space<hbm>>) target(%dma_start3A_443 : memref<80x128xf32, #tpu.memory_space<vmem>>) offsets(%dma_start3A_446 : memref<80xi32, #tpu.memory_space<vmem>>) semaphore(%arg8 : memref<!tpu.dma_semaphore, #tpu.memory_space<semaphore_mem>>)
      %add3A_450 = arith.constant 4 : i32
      %add3A_451 = arith.addi %mul3A_328, %add3A_450 : i32
      %dma_wait3A_452 = arith.constant 320 : i32
      %dma_wait3A_453 = arith.constant 0 : i32
      %dma_wait3A_454 = tpu.memref_slice %arg6[%dma_wait3A_452, %dma_wait3A_453] : memref<800x128xf32, #tpu.memory_space<vmem>> -> memref<80x128xf32, #tpu.memory_space<vmem>>
      %dma_wait3A_455 = arith.constant 0 : i32
      %dma_wait3A_456 = tpu.memref_slice %arg5[%add3A_451, %dma_wait3A_455] : memref<80x80xi32, #tpu.memory_space<vmem>> -> memref<1x80xi32, #tpu.memory_space<vmem>>
      %dma_wait3A_457 = tpu.memref_squeeze %dma_wait3A_456 : memref<1x80xi32, #tpu.memory_space<vmem>> -> memref<80xi32, #tpu.memory_space<vmem>>
      %dma_wait3A_458 = arith.constant 0 : i32
      %dma_wait3A_459 = arith.constant 0 : i32
      %dma_wait3A_460 = tpu.memref_slice %arg3[%dma_wait3A_458, %dma_wait3A_459] : memref<1000000x128xf32, #tpu.memory_space<hbm>> -> memref<1000000x128xf32, #tpu.memory_space<hbm>>
      tpu.wait_indirect_dma semaphore(%arg11 : memref<!tpu.dma_semaphore, #tpu.memory_space<semaphore_mem>>) src(%dma_wait3A_460 : memref<1000000x128xf32, #tpu.memory_space<hbm>>) dst(%dma_wait3A_454 : memref<80x128xf32, #tpu.memory_space<vmem>>)
      %add3A_461 = arith.constant 4 : i32
      %add3A_462 = arith.addi %mul3A_328, %add3A_461 : i32
      %add3A_463 = arith.constant 1 : i32
      %add3A_464 = arith.addi %add3A_462, %add3A_463 : i32
      %dma_wait3A_465 = arith.constant 400 : i32
      %dma_wait3A_466 = arith.constant 0 : i32
      %dma_wait3A_467 = tpu.memref_slice %arg6[%dma_wait3A_465, %dma_wait3A_466] : memref<800x128xf32, #tpu.memory_space<vmem>> -> memref<80x128xf32, #tpu.memory_space<vmem>>
      %dma_wait3A_468 = arith.constant 0 : i32
      %dma_wait3A_469 = tpu.memref_slice %arg5[%add3A_464, %dma_wait3A_468] : memref<80x80xi32, #tpu.memory_space<vmem>> -> memref<1x80xi32, #tpu.memory_space<vmem>>
      %dma_wait3A_470 = tpu.memref_squeeze %dma_wait3A_469 : memref<1x80xi32, #tpu.memory_space<vmem>> -> memref<80xi32, #tpu.memory_space<vmem>>
      %dma_wait3A_471 = arith.constant 0 : i32
      %dma_wait3A_472 = arith.constant 0 : i32
      %dma_wait3A_473 = tpu.memref_slice %arg3[%dma_wait3A_471, %dma_wait3A_472] : memref<1000000x128xf32, #tpu.memory_space<hbm>> -> memref<1000000x128xf32, #tpu.memory_space<hbm>>
      tpu.wait_indirect_dma semaphore(%arg12 : memref<!tpu.dma_semaphore, #tpu.memory_space<semaphore_mem>>) src(%dma_wait3A_473 : memref<1000000x128xf32, #tpu.memory_space<hbm>>) dst(%dma_wait3A_467 : memref<80x128xf32, #tpu.memory_space<vmem>>)
      %add3A_474 = arith.constant 4 : i32
      %add3A_475 = arith.addi %mul3A_328, %add3A_474 : i32
      %mul3A_476 = arith.constant 80 : i32
      %mul3A_477 = arith.muli %add3A_475, %mul3A_476 : i32
      %add3A_478 = arith.addi %mul3A_2, %mul3A_477 : i32
      %dma_start3A_479 = arith.constant 320 : i32
      %dma_start3A_480 = arith.constant 0 : i32
      %dma_start3A_481 = tpu.memref_slice %arg6[%dma_start3A_479, %dma_start3A_480] : memref<800x128xf32, #tpu.memory_space<vmem>> -> memref<160x128xf32, #tpu.memory_space<vmem>>
      %dma_start3A_482 = arith.constant 0 : i32
      %dma_start3A_483 = tpu.memref_slice %arg4[%add3A_478, %dma_start3A_482] : memref<204800x128xf32, #tpu.memory_space<hbm>> -> memref<160x128xf32, #tpu.memory_space<hbm>>
      %dma_start3A_484 = arith.constant 0 : i32
      %dma_start3A_485 = tpu.memref_slice %arg4[%add3A_478, %dma_start3A_484] : memref<204800x128xf32, #tpu.memory_space<hbm>> -> memref<160x128xf32, #tpu.memory_space<hbm>>
      %dma_start3A_486 = arith.constant 320 : i32
      %dma_start3A_487 = arith.constant 0 : i32
      %dma_start3A_488 = tpu.memref_slice %arg6[%dma_start3A_486, %dma_start3A_487] : memref<800x128xf32, #tpu.memory_space<vmem>> -> memref<160x128xf32, #tpu.memory_space<vmem>>
      tpu.enqueue_dma source(%dma_start3A_488 : memref<160x128xf32, #tpu.memory_space<vmem>>) target(%dma_start3A_485 : memref<160x128xf32, #tpu.memory_space<hbm>>) target_semaphore(%arg19 : memref<!tpu.dma_semaphore, #tpu.memory_space<semaphore_mem>>)
      %add3A_489 = arith.constant 2 : i32
      %add3A_490 = arith.addi %mul3A_328, %add3A_489 : i32
      %mul3A_491 = arith.constant 80 : i32
      %mul3A_492 = arith.muli %add3A_490, %mul3A_491 : i32
      %add3A_493 = arith.addi %mul3A_2, %mul3A_492 : i32
      %dma_wait3A_494 = arith.constant 160 : i32
      %dma_wait3A_495 = arith.constant 0 : i32
      %dma_wait3A_496 = tpu.memref_slice %arg6[%dma_wait3A_494, %dma_wait3A_495] : memref<800x128xf32, #tpu.memory_space<vmem>> -> memref<160x128xf32, #tpu.memory_space<vmem>>
      %dma_wait3A_497 = arith.constant 0 : i32
      %dma_wait3A_498 = tpu.memref_slice %arg4[%add3A_493, %dma_wait3A_497] : memref<204800x128xf32, #tpu.memory_space<hbm>> -> memref<160x128xf32, #tpu.memory_space<hbm>>
      %dma_wait3A_499 = arith.constant 0 : i32
      %dma_wait3A_500 = tpu.memref_slice %arg4[%add3A_493, %dma_wait3A_499] : memref<204800x128xf32, #tpu.memory_space<hbm>> -> memref<160x128xf32, #tpu.memory_space<hbm>>
      %dma_wait3A_501 = arith.constant 160 : i32
      %dma_wait3A_502 = arith.constant 0 : i32
      %dma_wait3A_503 = tpu.memref_slice %arg6[%dma_wait3A_501, %dma_wait3A_502] : memref<800x128xf32, #tpu.memory_space<vmem>> -> memref<160x128xf32, #tpu.memory_space<vmem>>
      tpu.wait_dma2 semaphore(%arg18 : memref<!tpu.dma_semaphore, #tpu.memory_space<semaphore_mem>>) src(%dma_wait3A_503 : memref<160x128xf32, #tpu.memory_space<vmem>>) dst(%dma_wait3A_500 : memref<160x128xf32, #tpu.memory_space<hbm>>)
      %add3A_504 = arith.constant 10 : i32
      %add3A_505 = arith.addi %mul3A_328, %add3A_504 : i32
      %add3A_506 = arith.constant 2 : i32
      %add3A_507 = arith.addi %add3A_505, %add3A_506 : i32
      %dma_start3A_508 = arith.constant 160 : i32
      %dma_start3A_509 = arith.constant 0 : i32
      %dma_start3A_510 = tpu.memref_slice %arg6[%dma_start3A_508, %dma_start3A_509] : memref<800x128xf32, #tpu.memory_space<vmem>> -> memref<80x128xf32, #tpu.memory_space<vmem>>
      %dma_start3A_511 = arith.constant 0 : i32
      %dma_start3A_512 = tpu.memref_slice %arg5[%add3A_507, %dma_start3A_511] : memref<80x80xi32, #tpu.memory_space<vmem>> -> memref<1x80xi32, #tpu.memory_space<vmem>>
      %dma_start3A_513 = tpu.memref_squeeze %dma_start3A_512 : memref<1x80xi32, #tpu.memory_space<vmem>> -> memref<80xi32, #tpu.memory_space<vmem>>
      %dma_start3A_514 = arith.constant 0 : i32
      %dma_start3A_515 = arith.constant 0 : i32
      %dma_start3A_516 = tpu.memref_slice %arg3[%dma_start3A_514, %dma_start3A_515] : memref<1000000x128xf32, #tpu.memory_space<hbm>> -> memref<1000000x128xf32, #tpu.memory_space<hbm>>
      tpu.enqueue_indirect_dma source(%dma_start3A_516 : memref<1000000x128xf32, #tpu.memory_space<hbm>>) target(%dma_start3A_510 : memref<80x128xf32, #tpu.memory_space<vmem>>) offsets(%dma_start3A_513 : memref<80xi32, #tpu.memory_space<vmem>>) semaphore(%arg9 : memref<!tpu.dma_semaphore, #tpu.memory_space<semaphore_mem>>)
      %add3A_517 = arith.constant 10 : i32
      %add3A_518 = arith.addi %mul3A_328, %add3A_517 : i32
      %add3A_519 = arith.constant 2 : i32
      %add3A_520 = arith.addi %add3A_518, %add3A_519 : i32
      %add3A_521 = arith.constant 1 : i32
      %add3A_522 = arith.addi %add3A_520, %add3A_521 : i32
      %dma_start3A_523 = arith.constant 240 : i32
      %dma_start3A_524 = arith.constant 0 : i32
      %dma_start3A_525 = tpu.memref_slice %arg6[%dma_start3A_523, %dma_start3A_524] : memref<800x128xf32, #tpu.memory_space<vmem>> -> memref<80x128xf32, #tpu.memory_space<vmem>>
      %dma_start3A_526 = arith.constant 0 : i32
      %dma_start3A_527 = tpu.memref_slice %arg5[%add3A_522, %dma_start3A_526] : memref<80x80xi32, #tpu.memory_space<vmem>> -> memref<1x80xi32, #tpu.memory_space<vmem>>
      %dma_start3A_528 = tpu.memref_squeeze %dma_start3A_527 : memref<1x80xi32, #tpu.memory_space<vmem>> -> memref<80xi32, #tpu.memory_space<vmem>>
      %dma_start3A_529 = arith.constant 0 : i32
      %dma_start3A_530 = arith.constant 0 : i32
      %dma_start3A_531 = tpu.memref_slice %arg3[%dma_start3A_529, %dma_start3A_530] : memref<1000000x128xf32, #tpu.memory_space<hbm>> -> memref<1000000x128xf32, #tpu.memory_space<hbm>>
      tpu.enqueue_indirect_dma source(%dma_start3A_531 : memref<1000000x128xf32, #tpu.memory_space<hbm>>) target(%dma_start3A_525 : memref<80x128xf32, #tpu.memory_space<vmem>>) offsets(%dma_start3A_528 : memref<80xi32, #tpu.memory_space<vmem>>) semaphore(%arg10 : memref<!tpu.dma_semaphore, #tpu.memory_space<semaphore_mem>>)
      %add3A_532 = arith.constant 6 : i32
      %add3A_533 = arith.addi %mul3A_328, %add3A_532 : i32
      %dma_wait3A_534 = arith.constant 480 : i32
      %dma_wait3A_535 = arith.constant 0 : i32
      %dma_wait3A_536 = tpu.memref_slice %arg6[%dma_wait3A_534, %dma_wait3A_535] : memref<800x128xf32, #tpu.memory_space<vmem>> -> memref<80x128xf32, #tpu.memory_space<vmem>>
      %dma_wait3A_537 = arith.constant 0 : i32
      %dma_wait3A_538 = tpu.memref_slice %arg5[%add3A_533, %dma_wait3A_537] : memref<80x80xi32, #tpu.memory_space<vmem>> -> memref<1x80xi32, #tpu.memory_space<vmem>>
      %dma_wait3A_539 = tpu.memref_squeeze %dma_wait3A_538 : memref<1x80xi32, #tpu.memory_space<vmem>> -> memref<80xi32, #tpu.memory_space<vmem>>
      %dma_wait3A_540 = arith.constant 0 : i32
      %dma_wait3A_541 = arith.constant 0 : i32
      %dma_wait3A_542 = tpu.memref_slice %arg3[%dma_wait3A_540, %dma_wait3A_541] : memref<1000000x128xf32, #tpu.memory_space<hbm>> -> memref<1000000x128xf32, #tpu.memory_space<hbm>>
      tpu.wait_indirect_dma semaphore(%arg13 : memref<!tpu.dma_semaphore, #tpu.memory_space<semaphore_mem>>) src(%dma_wait3A_542 : memref<1000000x128xf32, #tpu.memory_space<hbm>>) dst(%dma_wait3A_536 : memref<80x128xf32, #tpu.memory_space<vmem>>)
      %add3A_543 = arith.constant 6 : i32
      %add3A_544 = arith.addi %mul3A_328, %add3A_543 : i32
      %add3A_545 = arith.constant 1 : i32
      %add3A_546 = arith.addi %add3A_544, %add3A_545 : i32
      %dma_wait3A_547 = arith.constant 560 : i32
      %dma_wait3A_548 = arith.constant 0 : i32
      %dma_wait3A_549 = tpu.memref_slice %arg6[%dma_wait3A_547, %dma_wait3A_548] : memref<800x128xf32, #tpu.memory_space<vmem>> -> memref<80x128xf32, #tpu.memory_space<vmem>>
      %dma_wait3A_550 = arith.constant 0 : i32
      %dma_wait3A_551 = tpu.memref_slice %arg5[%add3A_546, %dma_wait3A_550] : memref<80x80xi32, #tpu.memory_space<vmem>> -> memref<1x80xi32, #tpu.memory_space<vmem>>
      %dma_wait3A_552 = tpu.memref_squeeze %dma_wait3A_551 : memref<1x80xi32, #tpu.memory_space<vmem>> -> memref<80xi32, #tpu.memory_space<vmem>>
      %dma_wait3A_553 = arith.constant 0 : i32
      %dma_wait3A_554 = arith.constant 0 : i32
      %dma_wait3A_555 = tpu.memref_slice %arg3[%dma_wait3A_553, %dma_wait3A_554] : memref<1000000x128xf32, #tpu.memory_space<hbm>> -> memref<1000000x128xf32, #tpu.memory_space<hbm>>
      tpu.wait_indirect_dma semaphore(%arg14 : memref<!tpu.dma_semaphore, #tpu.memory_space<semaphore_mem>>) src(%dma_wait3A_555 : memref<1000000x128xf32, #tpu.memory_space<hbm>>) dst(%dma_wait3A_549 : memref<80x128xf32, #tpu.memory_space<vmem>>)
      %add3A_556 = arith.constant 6 : i32
      %add3A_557 = arith.addi %mul3A_328, %add3A_556 : i32
      %mul3A_558 = arith.constant 80 : i32
      %mul3A_559 = arith.muli %add3A_557, %mul3A_558 : i32
      %add3A_560 = arith.addi %mul3A_2, %mul3A_559 : i32
      %dma_start3A_561 = arith.constant 480 : i32
      %dma_start3A_562 = arith.constant 0 : i32
      %dma_start3A_563 = tpu.memref_slice %arg6[%dma_start3A_561, %dma_start3A_562] : memref<800x128xf32, #tpu.memory_space<vmem>> -> memref<160x128xf32, #tpu.memory_space<vmem>>
      %dma_start3A_564 = arith.constant 0 : i32
      %dma_start3A_565 = tpu.memref_slice %arg4[%add3A_560, %dma_start3A_564] : memref<204800x128xf32, #tpu.memory_space<hbm>> -> memref<160x128xf32, #tpu.memory_space<hbm>>
      %dma_start3A_566 = arith.constant 0 : i32
      %dma_start3A_567 = tpu.memref_slice %arg4[%add3A_560, %dma_start3A_566] : memref<204800x128xf32, #tpu.memory_space<hbm>> -> memref<160x128xf32, #tpu.memory_space<hbm>>
      %dma_start3A_568 = arith.constant 480 : i32
      %dma_start3A_569 = arith.constant 0 : i32
      %dma_start3A_570 = tpu.memref_slice %arg6[%dma_start3A_568, %dma_start3A_569] : memref<800x128xf32, #tpu.memory_space<vmem>> -> memref<160x128xf32, #tpu.memory_space<vmem>>
      tpu.enqueue_dma source(%dma_start3A_570 : memref<160x128xf32, #tpu.memory_space<vmem>>) target(%dma_start3A_567 : memref<160x128xf32, #tpu.memory_space<hbm>>) target_semaphore(%arg20 : memref<!tpu.dma_semaphore, #tpu.memory_space<semaphore_mem>>)
      %add3A_571 = arith.constant 4 : i32
      %add3A_572 = arith.addi %mul3A_328, %add3A_571 : i32
      %mul3A_573 = arith.constant 80 : i32
      %mul3A_574 = arith.muli %add3A_572, %mul3A_573 : i32
      %add3A_575 = arith.addi %mul3A_2, %mul3A_574 : i32
      %dma_wait3A_576 = arith.constant 320 : i32
      %dma_wait3A_577 = arith.constant 0 : i32
      %dma_wait3A_578 = tpu.memref_slice %arg6[%dma_wait3A_576, %dma_wait3A_577] : memref<800x128xf32, #tpu.memory_space<vmem>> -> memref<160x128xf32, #tpu.memory_space<vmem>>
      %dma_wait3A_579 = arith.constant 0 : i32
      %dma_wait3A_580 = tpu.memref_slice %arg4[%add3A_575, %dma_wait3A_579] : memref<204800x128xf32, #tpu.memory_space<hbm>> -> memref<160x128xf32, #tpu.memory_space<hbm>>
      %dma_wait3A_581 = arith.constant 0 : i32
      %dma_wait3A_582 = tpu.memref_slice %arg4[%add3A_575, %dma_wait3A_581] : memref<204800x128xf32, #tpu.memory_space<hbm>> -> memref<160x128xf32, #tpu.memory_space<hbm>>
      %dma_wait3A_583 = arith.constant 320 : i32
      %dma_wait3A_584 = arith.constant 0 : i32
      %dma_wait3A_585 = tpu.memref_slice %arg6[%dma_wait3A_583, %dma_wait3A_584] : memref<800x128xf32, #tpu.memory_space<vmem>> -> memref<160x128xf32, #tpu.memory_space<vmem>>
      tpu.wait_dma2 semaphore(%arg19 : memref<!tpu.dma_semaphore, #tpu.memory_space<semaphore_mem>>) src(%dma_wait3A_585 : memref<160x128xf32, #tpu.memory_space<vmem>>) dst(%dma_wait3A_582 : memref<160x128xf32, #tpu.memory_space<hbm>>)
      %add3A_586 = arith.constant 10 : i32
      %add3A_587 = arith.addi %mul3A_328, %add3A_586 : i32
      %add3A_588 = arith.constant 4 : i32
      %add3A_589 = arith.addi %add3A_587, %add3A_588 : i32
      %dma_start3A_590 = arith.constant 320 : i32
      %dma_start3A_591 = arith.constant 0 : i32
      %dma_start3A_592 = tpu.memref_slice %arg6[%dma_start3A_590, %dma_start3A_591] : memref<800x128xf32, #tpu.memory_space<vmem>> -> memref<80x128xf32, #tpu.memory_space<vmem>>
      %dma_start3A_593 = arith.constant 0 : i32
      %dma_start3A_594 = tpu.memref_slice %arg5[%add3A_589, %dma_start3A_593] : memref<80x80xi32, #tpu.memory_space<vmem>> -> memref<1x80xi32, #tpu.memory_space<vmem>>
      %dma_start3A_595 = tpu.memref_squeeze %dma_start3A_594 : memref<1x80xi32, #tpu.memory_space<vmem>> -> memref<80xi32, #tpu.memory_space<vmem>>
      %dma_start3A_596 = arith.constant 0 : i32
      %dma_start3A_597 = arith.constant 0 : i32
      %dma_start3A_598 = tpu.memref_slice %arg3[%dma_start3A_596, %dma_start3A_597] : memref<1000000x128xf32, #tpu.memory_space<hbm>> -> memref<1000000x128xf32, #tpu.memory_space<hbm>>
      tpu.enqueue_indirect_dma source(%dma_start3A_598 : memref<1000000x128xf32, #tpu.memory_space<hbm>>) target(%dma_start3A_592 : memref<80x128xf32, #tpu.memory_space<vmem>>) offsets(%dma_start3A_595 : memref<80xi32, #tpu.memory_space<vmem>>) semaphore(%arg11 : memref<!tpu.dma_semaphore, #tpu.memory_space<semaphore_mem>>)
      %add3A_599 = arith.constant 10 : i32
      %add3A_600 = arith.addi %mul3A_328, %add3A_599 : i32
      %add3A_601 = arith.constant 4 : i32
      %add3A_602 = arith.addi %add3A_600, %add3A_601 : i32
      %add3A_603 = arith.constant 1 : i32
      %add3A_604 = arith.addi %add3A_602, %add3A_603 : i32
      %dma_start3A_605 = arith.constant 400 : i32
      %dma_start3A_606 = arith.constant 0 : i32
      %dma_start3A_607 = tpu.memref_slice %arg6[%dma_start3A_605, %dma_start3A_606] : memref<800x128xf32, #tpu.memory_space<vmem>> -> memref<80x128xf32, #tpu.memory_space<vmem>>
      %dma_start3A_608 = arith.constant 0 : i32
      %dma_start3A_609 = tpu.memref_slice %arg5[%add3A_604, %dma_start3A_608] : memref<80x80xi32, #tpu.memory_space<vmem>> -> memref<1x80xi32, #tpu.memory_space<vmem>>
      %dma_start3A_610 = tpu.memref_squeeze %dma_start3A_609 : memref<1x80xi32, #tpu.memory_space<vmem>> -> memref<80xi32, #tpu.memory_space<vmem>>
      %dma_start3A_611 = arith.constant 0 : i32
      %dma_start3A_612 = arith.constant 0 : i32
      %dma_start3A_613 = tpu.memref_slice %arg3[%dma_start3A_611, %dma_start3A_612] : memref<1000000x128xf32, #tpu.memory_space<hbm>> -> memref<1000000x128xf32, #tpu.memory_space<hbm>>
      tpu.enqueue_indirect_dma source(%dma_start3A_613 : memref<1000000x128xf32, #tpu.memory_space<hbm>>) target(%dma_start3A_607 : memref<80x128xf32, #tpu.memory_space<vmem>>) offsets(%dma_start3A_610 : memref<80xi32, #tpu.memory_space<vmem>>) semaphore(%arg12 : memref<!tpu.dma_semaphore, #tpu.memory_space<semaphore_mem>>)
      %add3A_614 = arith.constant 8 : i32
      %add3A_615 = arith.addi %mul3A_328, %add3A_614 : i32
      %dma_wait3A_616 = arith.constant 640 : i32
      %dma_wait3A_617 = arith.constant 0 : i32
      %dma_wait3A_618 = tpu.memref_slice %arg6[%dma_wait3A_616, %dma_wait3A_617] : memref<800x128xf32, #tpu.memory_space<vmem>> -> memref<80x128xf32, #tpu.memory_space<vmem>>
      %dma_wait3A_619 = arith.constant 0 : i32
      %dma_wait3A_620 = tpu.memref_slice %arg5[%add3A_615, %dma_wait3A_619] : memref<80x80xi32, #tpu.memory_space<vmem>> -> memref<1x80xi32, #tpu.memory_space<vmem>>
      %dma_wait3A_621 = tpu.memref_squeeze %dma_wait3A_620 : memref<1x80xi32, #tpu.memory_space<vmem>> -> memref<80xi32, #tpu.memory_space<vmem>>
      %dma_wait3A_622 = arith.constant 0 : i32
      %dma_wait3A_623 = arith.constant 0 : i32
      %dma_wait3A_624 = tpu.memref_slice %arg3[%dma_wait3A_622, %dma_wait3A_623] : memref<1000000x128xf32, #tpu.memory_space<hbm>> -> memref<1000000x128xf32, #tpu.memory_space<hbm>>
      tpu.wait_indirect_dma semaphore(%arg15 : memref<!tpu.dma_semaphore, #tpu.memory_space<semaphore_mem>>) src(%dma_wait3A_624 : memref<1000000x128xf32, #tpu.memory_space<hbm>>) dst(%dma_wait3A_618 : memref<80x128xf32, #tpu.memory_space<vmem>>)
      %add3A_625 = arith.constant 8 : i32
      %add3A_626 = arith.addi %mul3A_328, %add3A_625 : i32
      %add3A_627 = arith.constant 1 : i32
      %add3A_628 = arith.addi %add3A_626, %add3A_627 : i32
      %dma_wait3A_629 = arith.constant 720 : i32
      %dma_wait3A_630 = arith.constant 0 : i32
      %dma_wait3A_631 = tpu.memref_slice %arg6[%dma_wait3A_629, %dma_wait3A_630] : memref<800x128xf32, #tpu.memory_space<vmem>> -> memref<80x128xf32, #tpu.memory_space<vmem>>
      %dma_wait3A_632 = arith.constant 0 : i32
      %dma_wait3A_633 = tpu.memref_slice %arg5[%add3A_628, %dma_wait3A_632] : memref<80x80xi32, #tpu.memory_space<vmem>> -> memref<1x80xi32, #tpu.memory_space<vmem>>
      %dma_wait3A_634 = tpu.memref_squeeze %dma_wait3A_633 : memref<1x80xi32, #tpu.memory_space<vmem>> -> memref<80xi32, #tpu.memory_space<vmem>>
      %dma_wait3A_635 = arith.constant 0 : i32
      %dma_wait3A_636 = arith.constant 0 : i32
      %dma_wait3A_637 = tpu.memref_slice %arg3[%dma_wait3A_635, %dma_wait3A_636] : memref<1000000x128xf32, #tpu.memory_space<hbm>> -> memref<1000000x128xf32, #tpu.memory_space<hbm>>
      tpu.wait_indirect_dma semaphore(%arg16 : memref<!tpu.dma_semaphore, #tpu.memory_space<semaphore_mem>>) src(%dma_wait3A_637 : memref<1000000x128xf32, #tpu.memory_space<hbm>>) dst(%dma_wait3A_631 : memref<80x128xf32, #tpu.memory_space<vmem>>)
      %add3A_638 = arith.constant 8 : i32
      %add3A_639 = arith.addi %mul3A_328, %add3A_638 : i32
      %mul3A_640 = arith.constant 80 : i32
      %mul3A_641 = arith.muli %add3A_639, %mul3A_640 : i32
      %add3A_642 = arith.addi %mul3A_2, %mul3A_641 : i32
      %dma_start3A_643 = arith.constant 640 : i32
      %dma_start3A_644 = arith.constant 0 : i32
      %dma_start3A_645 = tpu.memref_slice %arg6[%dma_start3A_643, %dma_start3A_644] : memref<800x128xf32, #tpu.memory_space<vmem>> -> memref<160x128xf32, #tpu.memory_space<vmem>>
      %dma_start3A_646 = arith.constant 0 : i32
      %dma_start3A_647 = tpu.memref_slice %arg4[%add3A_642, %dma_start3A_646] : memref<204800x128xf32, #tpu.memory_space<hbm>> -> memref<160x128xf32, #tpu.memory_space<hbm>>
      %dma_start3A_648 = arith.constant 0 : i32
      %dma_start3A_649 = tpu.memref_slice %arg4[%add3A_642, %dma_start3A_648] : memref<204800x128xf32, #tpu.memory_space<hbm>> -> memref<160x128xf32, #tpu.memory_space<hbm>>
      %dma_start3A_650 = arith.constant 640 : i32
      %dma_start3A_651 = arith.constant 0 : i32
      %dma_start3A_652 = tpu.memref_slice %arg6[%dma_start3A_650, %dma_start3A_651] : memref<800x128xf32, #tpu.memory_space<vmem>> -> memref<160x128xf32, #tpu.memory_space<vmem>>
      tpu.enqueue_dma source(%dma_start3A_652 : memref<160x128xf32, #tpu.memory_space<vmem>>) target(%dma_start3A_649 : memref<160x128xf32, #tpu.memory_space<hbm>>) target_semaphore(%arg21 : memref<!tpu.dma_semaphore, #tpu.memory_space<semaphore_mem>>)
      %add3A_653 = arith.constant 6 : i32
      %add3A_654 = arith.addi %mul3A_328, %add3A_653 : i32
      %mul3A_655 = arith.constant 80 : i32
      %mul3A_656 = arith.muli %add3A_654, %mul3A_655 : i32
      %add3A_657 = arith.addi %mul3A_2, %mul3A_656 : i32
      %dma_wait3A_658 = arith.constant 480 : i32
      %dma_wait3A_659 = arith.constant 0 : i32
      %dma_wait3A_660 = tpu.memref_slice %arg6[%dma_wait3A_658, %dma_wait3A_659] : memref<800x128xf32, #tpu.memory_space<vmem>> -> memref<160x128xf32, #tpu.memory_space<vmem>>
      %dma_wait3A_661 = arith.constant 0 : i32
      %dma_wait3A_662 = tpu.memref_slice %arg4[%add3A_657, %dma_wait3A_661] : memref<204800x128xf32, #tpu.memory_space<hbm>> -> memref<160x128xf32, #tpu.memory_space<hbm>>
      %dma_wait3A_663 = arith.constant 0 : i32
      %dma_wait3A_664 = tpu.memref_slice %arg4[%add3A_657, %dma_wait3A_663] : memref<204800x128xf32, #tpu.memory_space<hbm>> -> memref<160x128xf32, #tpu.memory_space<hbm>>
      %dma_wait3A_665 = arith.constant 480 : i32
      %dma_wait3A_666 = arith.constant 0 : i32
      %dma_wait3A_667 = tpu.memref_slice %arg6[%dma_wait3A_665, %dma_wait3A_666] : memref<800x128xf32, #tpu.memory_space<vmem>> -> memref<160x128xf32, #tpu.memory_space<vmem>>
      tpu.wait_dma2 semaphore(%arg20 : memref<!tpu.dma_semaphore, #tpu.memory_space<semaphore_mem>>) src(%dma_wait3A_667 : memref<160x128xf32, #tpu.memory_space<vmem>>) dst(%dma_wait3A_664 : memref<160x128xf32, #tpu.memory_space<hbm>>)
      %add3A_668 = arith.constant 10 : i32
      %add3A_669 = arith.addi %mul3A_328, %add3A_668 : i32
      %add3A_670 = arith.constant 6 : i32
      %add3A_671 = arith.addi %add3A_669, %add3A_670 : i32
      %dma_start3A_672 = arith.constant 480 : i32
      %dma_start3A_673 = arith.constant 0 : i32
      %dma_start3A_674 = tpu.memref_slice %arg6[%dma_start3A_672, %dma_start3A_673] : memref<800x128xf32, #tpu.memory_space<vmem>> -> memref<80x128xf32, #tpu.memory_space<vmem>>
      %dma_start3A_675 = arith.constant 0 : i32
      %dma_start3A_676 = tpu.memref_slice %arg5[%add3A_671, %dma_start3A_675] : memref<80x80xi32, #tpu.memory_space<vmem>> -> memref<1x80xi32, #tpu.memory_space<vmem>>
      %dma_start3A_677 = tpu.memref_squeeze %dma_start3A_676 : memref<1x80xi32, #tpu.memory_space<vmem>> -> memref<80xi32, #tpu.memory_space<vmem>>
      %dma_start3A_678 = arith.constant 0 : i32
      %dma_start3A_679 = arith.constant 0 : i32
      %dma_start3A_680 = tpu.memref_slice %arg3[%dma_start3A_678, %dma_start3A_679] : memref<1000000x128xf32, #tpu.memory_space<hbm>> -> memref<1000000x128xf32, #tpu.memory_space<hbm>>
      tpu.enqueue_indirect_dma source(%dma_start3A_680 : memref<1000000x128xf32, #tpu.memory_space<hbm>>) target(%dma_start3A_674 : memref<80x128xf32, #tpu.memory_space<vmem>>) offsets(%dma_start3A_677 : memref<80xi32, #tpu.memory_space<vmem>>) semaphore(%arg13 : memref<!tpu.dma_semaphore, #tpu.memory_space<semaphore_mem>>)
      %add3A_681 = arith.constant 10 : i32
      %add3A_682 = arith.addi %mul3A_328, %add3A_681 : i32
      %add3A_683 = arith.constant 6 : i32
      %add3A_684 = arith.addi %add3A_682, %add3A_683 : i32
      %add3A_685 = arith.constant 1 : i32
      %add3A_686 = arith.addi %add3A_684, %add3A_685 : i32
      %dma_start3A_687 = arith.constant 560 : i32
      %dma_start3A_688 = arith.constant 0 : i32
      %dma_start3A_689 = tpu.memref_slice %arg6[%dma_start3A_687, %dma_start3A_688] : memref<800x128xf32, #tpu.memory_space<vmem>> -> memref<80x128xf32, #tpu.memory_space<vmem>>
      %dma_start3A_690 = arith.constant 0 : i32
      %dma_start3A_691 = tpu.memref_slice %arg5[%add3A_686, %dma_start3A_690] : memref<80x80xi32, #tpu.memory_space<vmem>> -> memref<1x80xi32, #tpu.memory_space<vmem>>
      %dma_start3A_692 = tpu.memref_squeeze %dma_start3A_691 : memref<1x80xi32, #tpu.memory_space<vmem>> -> memref<80xi32, #tpu.memory_space<vmem>>
      %dma_start3A_693 = arith.constant 0 : i32
      %dma_start3A_694 = arith.constant 0 : i32
      %dma_start3A_695 = tpu.memref_slice %arg3[%dma_start3A_693, %dma_start3A_694] : memref<1000000x128xf32, #tpu.memory_space<hbm>> -> memref<1000000x128xf32, #tpu.memory_space<hbm>>
      tpu.enqueue_indirect_dma source(%dma_start3A_695 : memref<1000000x128xf32, #tpu.memory_space<hbm>>) target(%dma_start3A_689 : memref<80x128xf32, #tpu.memory_space<vmem>>) offsets(%dma_start3A_692 : memref<80xi32, #tpu.memory_space<vmem>>) semaphore(%arg14 : memref<!tpu.dma_semaphore, #tpu.memory_space<semaphore_mem>>)
      %add3A_696 = arith.constant 8 : i32
      %add3A_697 = arith.addi %mul3A_328, %add3A_696 : i32
      %mul3A_698 = arith.constant 80 : i32
      %mul3A_699 = arith.muli %add3A_697, %mul3A_698 : i32
      %add3A_700 = arith.addi %mul3A_2, %mul3A_699 : i32
      %dma_wait3A_701 = arith.constant 640 : i32
      %dma_wait3A_702 = arith.constant 0 : i32
      %dma_wait3A_703 = tpu.memref_slice %arg6[%dma_wait3A_701, %dma_wait3A_702] : memref<800x128xf32, #tpu.memory_space<vmem>> -> memref<160x128xf32, #tpu.memory_space<vmem>>
      %dma_wait3A_704 = arith.constant 0 : i32
      %dma_wait3A_705 = tpu.memref_slice %arg4[%add3A_700, %dma_wait3A_704] : memref<204800x128xf32, #tpu.memory_space<hbm>> -> memref<160x128xf32, #tpu.memory_space<hbm>>
      %dma_wait3A_706 = arith.constant 0 : i32
      %dma_wait3A_707 = tpu.memref_slice %arg4[%add3A_700, %dma_wait3A_706] : memref<204800x128xf32, #tpu.memory_space<hbm>> -> memref<160x128xf32, #tpu.memory_space<hbm>>
      %dma_wait3A_708 = arith.constant 640 : i32
      %dma_wait3A_709 = arith.constant 0 : i32
      %dma_wait3A_710 = tpu.memref_slice %arg6[%dma_wait3A_708, %dma_wait3A_709] : memref<800x128xf32, #tpu.memory_space<vmem>> -> memref<160x128xf32, #tpu.memory_space<vmem>>
      tpu.wait_dma2 semaphore(%arg21 : memref<!tpu.dma_semaphore, #tpu.memory_space<semaphore_mem>>) src(%dma_wait3A_710 : memref<160x128xf32, #tpu.memory_space<vmem>>) dst(%dma_wait3A_707 : memref<160x128xf32, #tpu.memory_space<hbm>>)
      %add3A_711 = arith.constant 10 : i32
      %add3A_712 = arith.addi %mul3A_328, %add3A_711 : i32
      %add3A_713 = arith.constant 8 : i32
      %add3A_714 = arith.addi %add3A_712, %add3A_713 : i32
      %dma_start3A_715 = arith.constant 640 : i32
      %dma_start3A_716 = arith.constant 0 : i32
      %dma_start3A_717 = tpu.memref_slice %arg6[%dma_start3A_715, %dma_start3A_716] : memref<800x128xf32, #tpu.memory_space<vmem>> -> memref<80x128xf32, #tpu.memory_space<vmem>>
      %dma_start3A_718 = arith.constant 0 : i32
      %dma_start3A_719 = tpu.memref_slice %arg5[%add3A_714, %dma_start3A_718] : memref<80x80xi32, #tpu.memory_space<vmem>> -> memref<1x80xi32, #tpu.memory_space<vmem>>
      %dma_start3A_720 = tpu.memref_squeeze %dma_start3A_719 : memref<1x80xi32, #tpu.memory_space<vmem>> -> memref<80xi32, #tpu.memory_space<vmem>>
      %dma_start3A_721 = arith.constant 0 : i32
      %dma_start3A_722 = arith.constant 0 : i32
      %dma_start3A_723 = tpu.memref_slice %arg3[%dma_start3A_721, %dma_start3A_722] : memref<1000000x128xf32, #tpu.memory_space<hbm>> -> memref<1000000x128xf32, #tpu.memory_space<hbm>>
      tpu.enqueue_indirect_dma source(%dma_start3A_723 : memref<1000000x128xf32, #tpu.memory_space<hbm>>) target(%dma_start3A_717 : memref<80x128xf32, #tpu.memory_space<vmem>>) offsets(%dma_start3A_720 : memref<80xi32, #tpu.memory_space<vmem>>) semaphore(%arg15 : memref<!tpu.dma_semaphore, #tpu.memory_space<semaphore_mem>>)
      %add3A_724 = arith.constant 10 : i32
      %add3A_725 = arith.addi %mul3A_328, %add3A_724 : i32
      %add3A_726 = arith.constant 8 : i32
      %add3A_727 = arith.addi %add3A_725, %add3A_726 : i32
      %add3A_728 = arith.constant 1 : i32
      %add3A_729 = arith.addi %add3A_727, %add3A_728 : i32
      %dma_start3A_730 = arith.constant 720 : i32
      %dma_start3A_731 = arith.constant 0 : i32
      %dma_start3A_732 = tpu.memref_slice %arg6[%dma_start3A_730, %dma_start3A_731] : memref<800x128xf32, #tpu.memory_space<vmem>> -> memref<80x128xf32, #tpu.memory_space<vmem>>
      %dma_start3A_733 = arith.constant 0 : i32
      %dma_start3A_734 = tpu.memref_slice %arg5[%add3A_729, %dma_start3A_733] : memref<80x80xi32, #tpu.memory_space<vmem>> -> memref<1x80xi32, #tpu.memory_space<vmem>>
      %dma_start3A_735 = tpu.memref_squeeze %dma_start3A_734 : memref<1x80xi32, #tpu.memory_space<vmem>> -> memref<80xi32, #tpu.memory_space<vmem>>
      %dma_start3A_736 = arith.constant 0 : i32
      %dma_start3A_737 = arith.constant 0 : i32
      %dma_start3A_738 = tpu.memref_slice %arg3[%dma_start3A_736, %dma_start3A_737] : memref<1000000x128xf32, #tpu.memory_space<hbm>> -> memref<1000000x128xf32, #tpu.memory_space<hbm>>
      tpu.enqueue_indirect_dma source(%dma_start3A_738 : memref<1000000x128xf32, #tpu.memory_space<hbm>>) target(%dma_start3A_732 : memref<80x128xf32, #tpu.memory_space<vmem>>) offsets(%dma_start3A_735 : memref<80xi32, #tpu.memory_space<vmem>>) semaphore(%arg16 : memref<!tpu.dma_semaphore, #tpu.memory_space<semaphore_mem>>)
    }
    %scan3A_106 = arith.constant 7 : i32
    %dma_wait3A = arith.constant 70 : i32
    %dma_wait3A_107 = arith.constant 0 : i32
    %dma_wait3A_108 = arith.constant 0 : i32
    %dma_wait3A_109 = tpu.memref_slice %arg6[%dma_wait3A_107, %dma_wait3A_108] : memref<800x128xf32, #tpu.memory_space<vmem>> -> memref<80x128xf32, #tpu.memory_space<vmem>>
    %dma_wait3A_110 = arith.constant 0 : i32
    %dma_wait3A_111 = tpu.memref_slice %arg5[%dma_wait3A, %dma_wait3A_110] : memref<80x80xi32, #tpu.memory_space<vmem>> -> memref<1x80xi32, #tpu.memory_space<vmem>>
    %dma_wait3A_112 = tpu.memref_squeeze %dma_wait3A_111 : memref<1x80xi32, #tpu.memory_space<vmem>> -> memref<80xi32, #tpu.memory_space<vmem>>
    %dma_wait3A_113 = arith.constant 0 : i32
    %dma_wait3A_114 = arith.constant 0 : i32
    %dma_wait3A_115 = tpu.memref_slice %arg3[%dma_wait3A_113, %dma_wait3A_114] : memref<1000000x128xf32, #tpu.memory_space<hbm>> -> memref<1000000x128xf32, #tpu.memory_space<hbm>>
    tpu.wait_indirect_dma semaphore(%arg7 : memref<!tpu.dma_semaphore, #tpu.memory_space<semaphore_mem>>) src(%dma_wait3A_115 : memref<1000000x128xf32, #tpu.memory_space<hbm>>) dst(%dma_wait3A_109 : memref<80x128xf32, #tpu.memory_space<vmem>>)
    %dma_wait3A_116 = arith.constant 71 : i32
    %dma_wait3A_117 = arith.constant 80 : i32
    %dma_wait3A_118 = arith.constant 0 : i32
    %dma_wait3A_119 = tpu.memref_slice %arg6[%dma_wait3A_117, %dma_wait3A_118] : memref<800x128xf32, #tpu.memory_space<vmem>> -> memref<80x128xf32, #tpu.memory_space<vmem>>
    %dma_wait3A_120 = arith.constant 0 : i32
    %dma_wait3A_121 = tpu.memref_slice %arg5[%dma_wait3A_116, %dma_wait3A_120] : memref<80x80xi32, #tpu.memory_space<vmem>> -> memref<1x80xi32, #tpu.memory_space<vmem>>
    %dma_wait3A_122 = tpu.memref_squeeze %dma_wait3A_121 : memref<1x80xi32, #tpu.memory_space<vmem>> -> memref<80xi32, #tpu.memory_space<vmem>>
    %dma_wait3A_123 = arith.constant 0 : i32
    %dma_wait3A_124 = arith.constant 0 : i32
    %dma_wait3A_125 = tpu.memref_slice %arg3[%dma_wait3A_123, %dma_wait3A_124] : memref<1000000x128xf32, #tpu.memory_space<hbm>> -> memref<1000000x128xf32, #tpu.memory_space<hbm>>
    tpu.wait_indirect_dma semaphore(%arg8 : memref<!tpu.dma_semaphore, #tpu.memory_space<semaphore_mem>>) src(%dma_wait3A_125 : memref<1000000x128xf32, #tpu.memory_space<hbm>>) dst(%dma_wait3A_119 : memref<80x128xf32, #tpu.memory_space<vmem>>)
    %add3A_126 = arith.constant 5600 : i32
    %add3A_127 = arith.addi %mul3A_2, %add3A_126 : i32
    %dma_start3A_128 = arith.constant 0 : i32
    %dma_start3A_129 = arith.constant 0 : i32
    %dma_start3A_130 = tpu.memref_slice %arg6[%dma_start3A_128, %dma_start3A_129] : memref<800x128xf32, #tpu.memory_space<vmem>> -> memref<160x128xf32, #tpu.memory_space<vmem>>
    %dma_start3A_131 = arith.constant 0 : i32
    %dma_start3A_132 = tpu.memref_slice %arg4[%add3A_127, %dma_start3A_131] : memref<204800x128xf32, #tpu.memory_space<hbm>> -> memref<160x128xf32, #tpu.memory_space<hbm>>
    %dma_start3A_133 = arith.constant 0 : i32
    %dma_start3A_134 = tpu.memref_slice %arg4[%add3A_127, %dma_start3A_133] : memref<204800x128xf32, #tpu.memory_space<hbm>> -> memref<160x128xf32, #tpu.memory_space<hbm>>
    %dma_start3A_135 = arith.constant 0 : i32
    %dma_start3A_136 = arith.constant 0 : i32
    %dma_start3A_137 = tpu.memref_slice %arg6[%dma_start3A_135, %dma_start3A_136] : memref<800x128xf32, #tpu.memory_space<vmem>> -> memref<160x128xf32, #tpu.memory_space<vmem>>
    tpu.enqueue_dma source(%dma_start3A_137 : memref<160x128xf32, #tpu.memory_space<vmem>>) target(%dma_start3A_134 : memref<160x128xf32, #tpu.memory_space<hbm>>) target_semaphore(%arg17 : memref<!tpu.dma_semaphore, #tpu.memory_space<semaphore_mem>>)
    %dma_wait3A_138 = arith.constant 72 : i32
    %dma_wait3A_139 = arith.constant 160 : i32
    %dma_wait3A_140 = arith.constant 0 : i32
    %dma_wait3A_141 = tpu.memref_slice %arg6[%dma_wait3A_139, %dma_wait3A_140] : memref<800x128xf32, #tpu.memory_space<vmem>> -> memref<80x128xf32, #tpu.memory_space<vmem>>
    %dma_wait3A_142 = arith.constant 0 : i32
    %dma_wait3A_143 = tpu.memref_slice %arg5[%dma_wait3A_138, %dma_wait3A_142] : memref<80x80xi32, #tpu.memory_space<vmem>> -> memref<1x80xi32, #tpu.memory_space<vmem>>
    %dma_wait3A_144 = tpu.memref_squeeze %dma_wait3A_143 : memref<1x80xi32, #tpu.memory_space<vmem>> -> memref<80xi32, #tpu.memory_space<vmem>>
    %dma_wait3A_145 = arith.constant 0 : i32
    %dma_wait3A_146 = arith.constant 0 : i32
    %dma_wait3A_147 = tpu.memref_slice %arg3[%dma_wait3A_145, %dma_wait3A_146] : memref<1000000x128xf32, #tpu.memory_space<hbm>> -> memref<1000000x128xf32, #tpu.memory_space<hbm>>
    tpu.wait_indirect_dma semaphore(%arg9 : memref<!tpu.dma_semaphore, #tpu.memory_space<semaphore_mem>>) src(%dma_wait3A_147 : memref<1000000x128xf32, #tpu.memory_space<hbm>>) dst(%dma_wait3A_141 : memref<80x128xf32, #tpu.memory_space<vmem>>)
    %dma_wait3A_148 = arith.constant 73 : i32
    %dma_wait3A_149 = arith.constant 240 : i32
    %dma_wait3A_150 = arith.constant 0 : i32
    %dma_wait3A_151 = tpu.memref_slice %arg6[%dma_wait3A_149, %dma_wait3A_150] : memref<800x128xf32, #tpu.memory_space<vmem>> -> memref<80x128xf32, #tpu.memory_space<vmem>>
    %dma_wait3A_152 = arith.constant 0 : i32
    %dma_wait3A_153 = tpu.memref_slice %arg5[%dma_wait3A_148, %dma_wait3A_152] : memref<80x80xi32, #tpu.memory_space<vmem>> -> memref<1x80xi32, #tpu.memory_space<vmem>>
    %dma_wait3A_154 = tpu.memref_squeeze %dma_wait3A_153 : memref<1x80xi32, #tpu.memory_space<vmem>> -> memref<80xi32, #tpu.memory_space<vmem>>
    %dma_wait3A_155 = arith.constant 0 : i32
    %dma_wait3A_156 = arith.constant 0 : i32
    %dma_wait3A_157 = tpu.memref_slice %arg3[%dma_wait3A_155, %dma_wait3A_156] : memref<1000000x128xf32, #tpu.memory_space<hbm>> -> memref<1000000x128xf32, #tpu.memory_space<hbm>>
    tpu.wait_indirect_dma semaphore(%arg10 : memref<!tpu.dma_semaphore, #tpu.memory_space<semaphore_mem>>) src(%dma_wait3A_157 : memref<1000000x128xf32, #tpu.memory_space<hbm>>) dst(%dma_wait3A_151 : memref<80x128xf32, #tpu.memory_space<vmem>>)
    %add3A_158 = arith.constant 5760 : i32
    %add3A_159 = arith.addi %mul3A_2, %add3A_158 : i32
    %dma_start3A_160 = arith.constant 160 : i32
    %dma_start3A_161 = arith.constant 0 : i32
    %dma_start3A_162 = tpu.memref_slice %arg6[%dma_start3A_160, %dma_start3A_161] : memref<800x128xf32, #tpu.memory_space<vmem>> -> memref<160x128xf32, #tpu.memory_space<vmem>>
    %dma_start3A_163 = arith.constant 0 : i32
    %dma_start3A_164 = tpu.memref_slice %arg4[%add3A_159, %dma_start3A_163] : memref<204800x128xf32, #tpu.memory_space<hbm>> -> memref<160x128xf32, #tpu.memory_space<hbm>>
    %dma_start3A_165 = arith.constant 0 : i32
    %dma_start3A_166 = tpu.memref_slice %arg4[%add3A_159, %dma_start3A_165] : memref<204800x128xf32, #tpu.memory_space<hbm>> -> memref<160x128xf32, #tpu.memory_space<hbm>>
    %dma_start3A_167 = arith.constant 160 : i32
    %dma_start3A_168 = arith.constant 0 : i32
    %dma_start3A_169 = tpu.memref_slice %arg6[%dma_start3A_167, %dma_start3A_168] : memref<800x128xf32, #tpu.memory_space<vmem>> -> memref<160x128xf32, #tpu.memory_space<vmem>>
    tpu.enqueue_dma source(%dma_start3A_169 : memref<160x128xf32, #tpu.memory_space<vmem>>) target(%dma_start3A_166 : memref<160x128xf32, #tpu.memory_space<hbm>>) target_semaphore(%arg18 : memref<!tpu.dma_semaphore, #tpu.memory_space<semaphore_mem>>)
    %dma_wait3A_170 = arith.constant 74 : i32
    %dma_wait3A_171 = arith.constant 320 : i32
    %dma_wait3A_172 = arith.constant 0 : i32
    %dma_wait3A_173 = tpu.memref_slice %arg6[%dma_wait3A_171, %dma_wait3A_172] : memref<800x128xf32, #tpu.memory_space<vmem>> -> memref<80x128xf32, #tpu.memory_space<vmem>>
    %dma_wait3A_174 = arith.constant 0 : i32
    %dma_wait3A_175 = tpu.memref_slice %arg5[%dma_wait3A_170, %dma_wait3A_174] : memref<80x80xi32, #tpu.memory_space<vmem>> -> memref<1x80xi32, #tpu.memory_space<vmem>>
    %dma_wait3A_176 = tpu.memref_squeeze %dma_wait3A_175 : memref<1x80xi32, #tpu.memory_space<vmem>> -> memref<80xi32, #tpu.memory_space<vmem>>
    %dma_wait3A_177 = arith.constant 0 : i32
    %dma_wait3A_178 = arith.constant 0 : i32
    %dma_wait3A_179 = tpu.memref_slice %arg3[%dma_wait3A_177, %dma_wait3A_178] : memref<1000000x128xf32, #tpu.memory_space<hbm>> -> memref<1000000x128xf32, #tpu.memory_space<hbm>>
    tpu.wait_indirect_dma semaphore(%arg11 : memref<!tpu.dma_semaphore, #tpu.memory_space<semaphore_mem>>) src(%dma_wait3A_179 : memref<1000000x128xf32, #tpu.memory_space<hbm>>) dst(%dma_wait3A_173 : memref<80x128xf32, #tpu.memory_space<vmem>>)
    %dma_wait3A_180 = arith.constant 75 : i32
    %dma_wait3A_181 = arith.constant 400 : i32
    %dma_wait3A_182 = arith.constant 0 : i32
    %dma_wait3A_183 = tpu.memref_slice %arg6[%dma_wait3A_181, %dma_wait3A_182] : memref<800x128xf32, #tpu.memory_space<vmem>> -> memref<80x128xf32, #tpu.memory_space<vmem>>
    %dma_wait3A_184 = arith.constant 0 : i32
    %dma_wait3A_185 = tpu.memref_slice %arg5[%dma_wait3A_180, %dma_wait3A_184] : memref<80x80xi32, #tpu.memory_space<vmem>> -> memref<1x80xi32, #tpu.memory_space<vmem>>
    %dma_wait3A_186 = tpu.memref_squeeze %dma_wait3A_185 : memref<1x80xi32, #tpu.memory_space<vmem>> -> memref<80xi32, #tpu.memory_space<vmem>>
    %dma_wait3A_187 = arith.constant 0 : i32
    %dma_wait3A_188 = arith.constant 0 : i32
    %dma_wait3A_189 = tpu.memref_slice %arg3[%dma_wait3A_187, %dma_wait3A_188] : memref<1000000x128xf32, #tpu.memory_space<hbm>> -> memref<1000000x128xf32, #tpu.memory_space<hbm>>
    tpu.wait_indirect_dma semaphore(%arg12 : memref<!tpu.dma_semaphore, #tpu.memory_space<semaphore_mem>>) src(%dma_wait3A_189 : memref<1000000x128xf32, #tpu.memory_space<hbm>>) dst(%dma_wait3A_183 : memref<80x128xf32, #tpu.memory_space<vmem>>)
    %add3A_190 = arith.constant 5920 : i32
    %add3A_191 = arith.addi %mul3A_2, %add3A_190 : i32
    %dma_start3A_192 = arith.constant 320 : i32
    %dma_start3A_193 = arith.constant 0 : i32
    %dma_start3A_194 = tpu.memref_slice %arg6[%dma_start3A_192, %dma_start3A_193] : memref<800x128xf32, #tpu.memory_space<vmem>> -> memref<160x128xf32, #tpu.memory_space<vmem>>
    %dma_start3A_195 = arith.constant 0 : i32
    %dma_start3A_196 = tpu.memref_slice %arg4[%add3A_191, %dma_start3A_195] : memref<204800x128xf32, #tpu.memory_space<hbm>> -> memref<160x128xf32, #tpu.memory_space<hbm>>
    %dma_start3A_197 = arith.constant 0 : i32
    %dma_start3A_198 = tpu.memref_slice %arg4[%add3A_191, %dma_start3A_197] : memref<204800x128xf32, #tpu.memory_space<hbm>> -> memref<160x128xf32, #tpu.memory_space<hbm>>
    %dma_start3A_199 = arith.constant 320 : i32
    %dma_start3A_200 = arith.constant 0 : i32
    %dma_start3A_201 = tpu.memref_slice %arg6[%dma_start3A_199, %dma_start3A_200] : memref<800x128xf32, #tpu.memory_space<vmem>> -> memref<160x128xf32, #tpu.memory_space<vmem>>
    tpu.enqueue_dma source(%dma_start3A_201 : memref<160x128xf32, #tpu.memory_space<vmem>>) target(%dma_start3A_198 : memref<160x128xf32, #tpu.memory_space<hbm>>) target_semaphore(%arg19 : memref<!tpu.dma_semaphore, #tpu.memory_space<semaphore_mem>>)
    %dma_wait3A_202 = arith.constant 76 : i32
    %dma_wait3A_203 = arith.constant 480 : i32
    %dma_wait3A_204 = arith.constant 0 : i32
    %dma_wait3A_205 = tpu.memref_slice %arg6[%dma_wait3A_203, %dma_wait3A_204] : memref<800x128xf32, #tpu.memory_space<vmem>> -> memref<80x128xf32, #tpu.memory_space<vmem>>
    %dma_wait3A_206 = arith.constant 0 : i32
    %dma_wait3A_207 = tpu.memref_slice %arg5[%dma_wait3A_202, %dma_wait3A_206] : memref<80x80xi32, #tpu.memory_space<vmem>> -> memref<1x80xi32, #tpu.memory_space<vmem>>
    %dma_wait3A_208 = tpu.memref_squeeze %dma_wait3A_207 : memref<1x80xi32, #tpu.memory_space<vmem>> -> memref<80xi32, #tpu.memory_space<vmem>>
    %dma_wait3A_209 = arith.constant 0 : i32
    %dma_wait3A_210 = arith.constant 0 : i32
    %dma_wait3A_211 = tpu.memref_slice %arg3[%dma_wait3A_209, %dma_wait3A_210] : memref<1000000x128xf32, #tpu.memory_space<hbm>> -> memref<1000000x128xf32, #tpu.memory_space<hbm>>
    tpu.wait_indirect_dma semaphore(%arg13 : memref<!tpu.dma_semaphore, #tpu.memory_space<semaphore_mem>>) src(%dma_wait3A_211 : memref<1000000x128xf32, #tpu.memory_space<hbm>>) dst(%dma_wait3A_205 : memref<80x128xf32, #tpu.memory_space<vmem>>)
    %dma_wait3A_212 = arith.constant 77 : i32
    %dma_wait3A_213 = arith.constant 560 : i32
    %dma_wait3A_214 = arith.constant 0 : i32
    %dma_wait3A_215 = tpu.memref_slice %arg6[%dma_wait3A_213, %dma_wait3A_214] : memref<800x128xf32, #tpu.memory_space<vmem>> -> memref<80x128xf32, #tpu.memory_space<vmem>>
    %dma_wait3A_216 = arith.constant 0 : i32
    %dma_wait3A_217 = tpu.memref_slice %arg5[%dma_wait3A_212, %dma_wait3A_216] : memref<80x80xi32, #tpu.memory_space<vmem>> -> memref<1x80xi32, #tpu.memory_space<vmem>>
    %dma_wait3A_218 = tpu.memref_squeeze %dma_wait3A_217 : memref<1x80xi32, #tpu.memory_space<vmem>> -> memref<80xi32, #tpu.memory_space<vmem>>
    %dma_wait3A_219 = arith.constant 0 : i32
    %dma_wait3A_220 = arith.constant 0 : i32
    %dma_wait3A_221 = tpu.memref_slice %arg3[%dma_wait3A_219, %dma_wait3A_220] : memref<1000000x128xf32, #tpu.memory_space<hbm>> -> memref<1000000x128xf32, #tpu.memory_space<hbm>>
    tpu.wait_indirect_dma semaphore(%arg14 : memref<!tpu.dma_semaphore, #tpu.memory_space<semaphore_mem>>) src(%dma_wait3A_221 : memref<1000000x128xf32, #tpu.memory_space<hbm>>) dst(%dma_wait3A_215 : memref<80x128xf32, #tpu.memory_space<vmem>>)
    %add3A_222 = arith.constant 6080 : i32
    %add3A_223 = arith.addi %mul3A_2, %add3A_222 : i32
    %dma_start3A_224 = arith.constant 480 : i32
    %dma_start3A_225 = arith.constant 0 : i32
    %dma_start3A_226 = tpu.memref_slice %arg6[%dma_start3A_224, %dma_start3A_225] : memref<800x128xf32, #tpu.memory_space<vmem>> -> memref<160x128xf32, #tpu.memory_space<vmem>>
    %dma_start3A_227 = arith.constant 0 : i32
    %dma_start3A_228 = tpu.memref_slice %arg4[%add3A_223, %dma_start3A_227] : memref<204800x128xf32, #tpu.memory_space<hbm>> -> memref<160x128xf32, #tpu.memory_space<hbm>>
    %dma_start3A_229 = arith.constant 0 : i32
    %dma_start3A_230 = tpu.memref_slice %arg4[%add3A_223, %dma_start3A_229] : memref<204800x128xf32, #tpu.memory_space<hbm>> -> memref<160x128xf32, #tpu.memory_space<hbm>>
    %dma_start3A_231 = arith.constant 480 : i32
    %dma_start3A_232 = arith.constant 0 : i32
    %dma_start3A_233 = tpu.memref_slice %arg6[%dma_start3A_231, %dma_start3A_232] : memref<800x128xf32, #tpu.memory_space<vmem>> -> memref<160x128xf32, #tpu.memory_space<vmem>>
    tpu.enqueue_dma source(%dma_start3A_233 : memref<160x128xf32, #tpu.memory_space<vmem>>) target(%dma_start3A_230 : memref<160x128xf32, #tpu.memory_space<hbm>>) target_semaphore(%arg20 : memref<!tpu.dma_semaphore, #tpu.memory_space<semaphore_mem>>)
    %dma_wait3A_234 = arith.constant 78 : i32
    %dma_wait3A_235 = arith.constant 640 : i32
    %dma_wait3A_236 = arith.constant 0 : i32
    %dma_wait3A_237 = tpu.memref_slice %arg6[%dma_wait3A_235, %dma_wait3A_236] : memref<800x128xf32, #tpu.memory_space<vmem>> -> memref<80x128xf32, #tpu.memory_space<vmem>>
    %dma_wait3A_238 = arith.constant 0 : i32
    %dma_wait3A_239 = tpu.memref_slice %arg5[%dma_wait3A_234, %dma_wait3A_238] : memref<80x80xi32, #tpu.memory_space<vmem>> -> memref<1x80xi32, #tpu.memory_space<vmem>>
    %dma_wait3A_240 = tpu.memref_squeeze %dma_wait3A_239 : memref<1x80xi32, #tpu.memory_space<vmem>> -> memref<80xi32, #tpu.memory_space<vmem>>
    %dma_wait3A_241 = arith.constant 0 : i32
    %dma_wait3A_242 = arith.constant 0 : i32
    %dma_wait3A_243 = tpu.memref_slice %arg3[%dma_wait3A_241, %dma_wait3A_242] : memref<1000000x128xf32, #tpu.memory_space<hbm>> -> memref<1000000x128xf32, #tpu.memory_space<hbm>>
    tpu.wait_indirect_dma semaphore(%arg15 : memref<!tpu.dma_semaphore, #tpu.memory_space<semaphore_mem>>) src(%dma_wait3A_243 : memref<1000000x128xf32, #tpu.memory_space<hbm>>) dst(%dma_wait3A_237 : memref<80x128xf32, #tpu.memory_space<vmem>>)
    %dma_wait3A_244 = arith.constant 79 : i32
    %dma_wait3A_245 = arith.constant 720 : i32
    %dma_wait3A_246 = arith.constant 0 : i32
    %dma_wait3A_247 = tpu.memref_slice %arg6[%dma_wait3A_245, %dma_wait3A_246] : memref<800x128xf32, #tpu.memory_space<vmem>> -> memref<80x128xf32, #tpu.memory_space<vmem>>
    %dma_wait3A_248 = arith.constant 0 : i32
    %dma_wait3A_249 = tpu.memref_slice %arg5[%dma_wait3A_244, %dma_wait3A_248] : memref<80x80xi32, #tpu.memory_space<vmem>> -> memref<1x80xi32, #tpu.memory_space<vmem>>
    %dma_wait3A_250 = tpu.memref_squeeze %dma_wait3A_249 : memref<1x80xi32, #tpu.memory_space<vmem>> -> memref<80xi32, #tpu.memory_space<vmem>>
    %dma_wait3A_251 = arith.constant 0 : i32
    %dma_wait3A_252 = arith.constant 0 : i32
    %dma_wait3A_253 = tpu.memref_slice %arg3[%dma_wait3A_251, %dma_wait3A_252] : memref<1000000x128xf32, #tpu.memory_space<hbm>> -> memref<1000000x128xf32, #tpu.memory_space<hbm>>
    tpu.wait_indirect_dma semaphore(%arg16 : memref<!tpu.dma_semaphore, #tpu.memory_space<semaphore_mem>>) src(%dma_wait3A_253 : memref<1000000x128xf32, #tpu.memory_space<hbm>>) dst(%dma_wait3A_247 : memref<80x128xf32, #tpu.memory_space<vmem>>)
    %add3A_254 = arith.constant 6240 : i32
    %add3A_255 = arith.addi %mul3A_2, %add3A_254 : i32
    %dma_start3A_256 = arith.constant 640 : i32
    %dma_start3A_257 = arith.constant 0 : i32
    %dma_start3A_258 = tpu.memref_slice %arg6[%dma_start3A_256, %dma_start3A_257] : memref<800x128xf32, #tpu.memory_space<vmem>> -> memref<160x128xf32, #tpu.memory_space<vmem>>
    %dma_start3A_259 = arith.constant 0 : i32
    %dma_start3A_260 = tpu.memref_slice %arg4[%add3A_255, %dma_start3A_259] : memref<204800x128xf32, #tpu.memory_space<hbm>> -> memref<160x128xf32, #tpu.memory_space<hbm>>
    %dma_start3A_261 = arith.constant 0 : i32
    %dma_start3A_262 = tpu.memref_slice %arg4[%add3A_255, %dma_start3A_261] : memref<204800x128xf32, #tpu.memory_space<hbm>> -> memref<160x128xf32, #tpu.memory_space<hbm>>
    %dma_start3A_263 = arith.constant 640 : i32
    %dma_start3A_264 = arith.constant 0 : i32
    %dma_start3A_265 = tpu.memref_slice %arg6[%dma_start3A_263, %dma_start3A_264] : memref<800x128xf32, #tpu.memory_space<vmem>> -> memref<160x128xf32, #tpu.memory_space<vmem>>
    tpu.enqueue_dma source(%dma_start3A_265 : memref<160x128xf32, #tpu.memory_space<vmem>>) target(%dma_start3A_262 : memref<160x128xf32, #tpu.memory_space<hbm>>) target_semaphore(%arg21 : memref<!tpu.dma_semaphore, #tpu.memory_space<semaphore_mem>>)
    %add3A_266 = arith.constant 5600 : i32
    %add3A_267 = arith.addi %mul3A_2, %add3A_266 : i32
    %dma_wait3A_268 = arith.constant 0 : i32
    %dma_wait3A_269 = arith.constant 0 : i32
    %dma_wait3A_270 = tpu.memref_slice %arg6[%dma_wait3A_268, %dma_wait3A_269] : memref<800x128xf32, #tpu.memory_space<vmem>> -> memref<160x128xf32, #tpu.memory_space<vmem>>
    %dma_wait3A_271 = arith.constant 0 : i32
    %dma_wait3A_272 = tpu.memref_slice %arg4[%add3A_267, %dma_wait3A_271] : memref<204800x128xf32, #tpu.memory_space<hbm>> -> memref<160x128xf32, #tpu.memory_space<hbm>>
    %dma_wait3A_273 = arith.constant 0 : i32
    %dma_wait3A_274 = tpu.memref_slice %arg4[%add3A_267, %dma_wait3A_273] : memref<204800x128xf32, #tpu.memory_space<hbm>> -> memref<160x128xf32, #tpu.memory_space<hbm>>
    %dma_wait3A_275 = arith.constant 0 : i32
    %dma_wait3A_276 = arith.constant 0 : i32
    %dma_wait3A_277 = tpu.memref_slice %arg6[%dma_wait3A_275, %dma_wait3A_276] : memref<800x128xf32, #tpu.memory_space<vmem>> -> memref<160x128xf32, #tpu.memory_space<vmem>>
    tpu.wait_dma2 semaphore(%arg17 : memref<!tpu.dma_semaphore, #tpu.memory_space<semaphore_mem>>) src(%dma_wait3A_277 : memref<160x128xf32, #tpu.memory_space<vmem>>) dst(%dma_wait3A_274 : memref<160x128xf32, #tpu.memory_space<hbm>>)
    %add3A_278 = arith.constant 5760 : i32
    %add3A_279 = arith.addi %mul3A_2, %add3A_278 : i32
    %dma_wait3A_280 = arith.constant 160 : i32
    %dma_wait3A_281 = arith.constant 0 : i32
    %dma_wait3A_282 = tpu.memref_slice %arg6[%dma_wait3A_280, %dma_wait3A_281] : memref<800x128xf32, #tpu.memory_space<vmem>> -> memref<160x128xf32, #tpu.memory_space<vmem>>
    %dma_wait3A_283 = arith.constant 0 : i32
    %dma_wait3A_284 = tpu.memref_slice %arg4[%add3A_279, %dma_wait3A_283] : memref<204800x128xf32, #tpu.memory_space<hbm>> -> memref<160x128xf32, #tpu.memory_space<hbm>>
    %dma_wait3A_285 = arith.constant 0 : i32
    %dma_wait3A_286 = tpu.memref_slice %arg4[%add3A_279, %dma_wait3A_285] : memref<204800x128xf32, #tpu.memory_space<hbm>> -> memref<160x128xf32, #tpu.memory_space<hbm>>
    %dma_wait3A_287 = arith.constant 160 : i32
    %dma_wait3A_288 = arith.constant 0 : i32
    %dma_wait3A_289 = tpu.memref_slice %arg6[%dma_wait3A_287, %dma_wait3A_288] : memref<800x128xf32, #tpu.memory_space<vmem>> -> memref<160x128xf32, #tpu.memory_space<vmem>>
    tpu.wait_dma2 semaphore(%arg18 : memref<!tpu.dma_semaphore, #tpu.memory_space<semaphore_mem>>) src(%dma_wait3A_289 : memref<160x128xf32, #tpu.memory_space<vmem>>) dst(%dma_wait3A_286 : memref<160x128xf32, #tpu.memory_space<hbm>>)
    %add3A_290 = arith.constant 5920 : i32
    %add3A_291 = arith.addi %mul3A_2, %add3A_290 : i32
    %dma_wait3A_292 = arith.constant 320 : i32
    %dma_wait3A_293 = arith.constant 0 : i32
    %dma_wait3A_294 = tpu.memref_slice %arg6[%dma_wait3A_292, %dma_wait3A_293] : memref<800x128xf32, #tpu.memory_space<vmem>> -> memref<160x128xf32, #tpu.memory_space<vmem>>
    %dma_wait3A_295 = arith.constant 0 : i32
    %dma_wait3A_296 = tpu.memref_slice %arg4[%add3A_291, %dma_wait3A_295] : memref<204800x128xf32, #tpu.memory_space<hbm>> -> memref<160x128xf32, #tpu.memory_space<hbm>>
    %dma_wait3A_297 = arith.constant 0 : i32
    %dma_wait3A_298 = tpu.memref_slice %arg4[%add3A_291, %dma_wait3A_297] : memref<204800x128xf32, #tpu.memory_space<hbm>> -> memref<160x128xf32, #tpu.memory_space<hbm>>
    %dma_wait3A_299 = arith.constant 320 : i32
    %dma_wait3A_300 = arith.constant 0 : i32
    %dma_wait3A_301 = tpu.memref_slice %arg6[%dma_wait3A_299, %dma_wait3A_300] : memref<800x128xf32, #tpu.memory_space<vmem>> -> memref<160x128xf32, #tpu.memory_space<vmem>>
    tpu.wait_dma2 semaphore(%arg19 : memref<!tpu.dma_semaphore, #tpu.memory_space<semaphore_mem>>) src(%dma_wait3A_301 : memref<160x128xf32, #tpu.memory_space<vmem>>) dst(%dma_wait3A_298 : memref<160x128xf32, #tpu.memory_space<hbm>>)
    %add3A_302 = arith.constant 6080 : i32
    %add3A_303 = arith.addi %mul3A_2, %add3A_302 : i32
    %dma_wait3A_304 = arith.constant 480 : i32
    %dma_wait3A_305 = arith.constant 0 : i32
    %dma_wait3A_306 = tpu.memref_slice %arg6[%dma_wait3A_304, %dma_wait3A_305] : memref<800x128xf32, #tpu.memory_space<vmem>> -> memref<160x128xf32, #tpu.memory_space<vmem>>
    %dma_wait3A_307 = arith.constant 0 : i32
    %dma_wait3A_308 = tpu.memref_slice %arg4[%add3A_303, %dma_wait3A_307] : memref<204800x128xf32, #tpu.memory_space<hbm>> -> memref<160x128xf32, #tpu.memory_space<hbm>>
    %dma_wait3A_309 = arith.constant 0 : i32
    %dma_wait3A_310 = tpu.memref_slice %arg4[%add3A_303, %dma_wait3A_309] : memref<204800x128xf32, #tpu.memory_space<hbm>> -> memref<160x128xf32, #tpu.memory_space<hbm>>
    %dma_wait3A_311 = arith.constant 480 : i32
    %dma_wait3A_312 = arith.constant 0 : i32
    %dma_wait3A_313 = tpu.memref_slice %arg6[%dma_wait3A_311, %dma_wait3A_312] : memref<800x128xf32, #tpu.memory_space<vmem>> -> memref<160x128xf32, #tpu.memory_space<vmem>>
    tpu.wait_dma2 semaphore(%arg20 : memref<!tpu.dma_semaphore, #tpu.memory_space<semaphore_mem>>) src(%dma_wait3A_313 : memref<160x128xf32, #tpu.memory_space<vmem>>) dst(%dma_wait3A_310 : memref<160x128xf32, #tpu.memory_space<hbm>>)
    %add3A_314 = arith.constant 6240 : i32
    %add3A_315 = arith.addi %mul3A_2, %add3A_314 : i32
    %dma_wait3A_316 = arith.constant 640 : i32
    %dma_wait3A_317 = arith.constant 0 : i32
    %dma_wait3A_318 = tpu.memref_slice %arg6[%dma_wait3A_316, %dma_wait3A_317] : memref<800x128xf32, #tpu.memory_space<vmem>> -> memref<160x128xf32, #tpu.memory_space<vmem>>
    %dma_wait3A_319 = arith.constant 0 : i32
    %dma_wait3A_320 = tpu.memref_slice %arg4[%add3A_315, %dma_wait3A_319] : memref<204800x128xf32, #tpu.memory_space<hbm>> -> memref<160x128xf32, #tpu.memory_space<hbm>>
    %dma_wait3A_321 = arith.constant 0 : i32
    %dma_wait3A_322 = tpu.memref_slice %arg4[%add3A_315, %dma_wait3A_321] : memref<204800x128xf32, #tpu.memory_space<hbm>> -> memref<160x128xf32, #tpu.memory_space<hbm>>
    %dma_wait3A_323 = arith.constant 640 : i32
    %dma_wait3A_324 = arith.constant 0 : i32
    %dma_wait3A_325 = tpu.memref_slice %arg6[%dma_wait3A_323, %dma_wait3A_324] : memref<800x128xf32, #tpu.memory_space<vmem>> -> memref<160x128xf32, #tpu.memory_space<vmem>>
    tpu.wait_dma2 semaphore(%arg21 : memref<!tpu.dma_semaphore, #tpu.memory_space<semaphore_mem>>) src(%dma_wait3A_325 : memref<160x128xf32, #tpu.memory_space<vmem>>) dst(%dma_wait3A_322 : memref<160x128xf32, #tpu.memory_space<hbm>>)
    return
  }
}

</mosaic_0001>

<sc_bundles>
// kernel: kernel.3.cloned.1.call-start
scs
__scs_entry_jumppad:
0x0: {  	(pc) =	sbr.rel $0x88, $3  }
0x1: {  	(tag) =	ssettag $0x0;
	lr =	simm.s32 $0x1  }
0x2: {  	[smem:$0x3F9F] =	sst lr;
	_ =	strace $0xD0000000  }
0x3: {  	_ = 	snop  }
0x4: {  	_ = 	snop  }
0x5: {  	_ = 	snop  }
0x6: {  	_ = 	snop  }
0x7: {  	_ = 	snop  }
__scs_overlays_trampoline_lowered:
0x8: {  	[smem:$0x3FAE] =	sst s0  }
0x9: {  	[smem:$0x3FAF] =	sst s1  }
0xa: {  	[smem:$0x3FB0] =	sst s2  }
0xb: {  	[smem:$0x3FB1] =	sst s3  }
0xc: {  	[smem:$0x3FB2] =	sst s4  }
0xd: {  	[smem:$0x3FB3] =	sst s5  }
0xe: {  	[smem:$0x3FB4] =	sst s6  }
0xf: {  	[smem:$0x3FB5] =	sst s7  }
0x10: {  	[smem:$0x3FB6] =	sst s8  }
0x11: {  	[smem:$0x3FB7] =	sst s9;
	s0 =	simm.s32 @!p0 $0x0  }
0x12: {  	s1 =	sld [smem:$0x3F9D];
	s0 =	simm.s32 @p0 $0x1  }
0x13: {  	[smem:$0x3FB8] =	sst s0;
	s0 =	simm.s32 @!p1 $0x0  }
0x14: {  	s2 =	sld [smem:$0x3F9C];
	s0 =	simm.s32 @p1 $0x1  }
0x15: {  	[smem:$0x3FB9] =	sst s0;
	s0 =	simm.s32 @!p2 $0x0  }
0x16: {  	s3 =	sld [smem:$0x3FDB];
	s0 =	simm.s32 @p2 $0x1  }
0x17: {  	s4 =	simm.s32 $0x1BF5;
	[smem:$0x3FBB] =	sst s0  }
0x18: {  	s0 =	sld [smem:$0x3F9E];
	_ =	swait.ge [sflag:s4], $0x0  }
0x19: {  	s7 =	sld [smem:$0x3F9F]  }
0x1a: {  	s8 =	sadd.s32 $0xFFFFE003, lr  }
0x1b: {  	s9 =	sadd.s32 $0xFFFFFEF7, lr;
	s5 =	simm.s32 $0xFFFFFFFF;
	p2 =	slt.u32 s8, $0xFFFFF086  }
0x1c: {  	p1 =	slt.u32 s9, $0xF7A;
	s5 =	simm.s32 @!p2 $0x0  }
0x1d: {  	s5 =	simm.s32 @p1 $0x1;
	p0 =	seq.s32 s7, s2  }
0x1e: {  	s7 =	smul.u32 @!p0 $0xF7A, s2;
	p2 =	seq.s32 @!p0 s5, $0x0  }
0x1f: {  	s9 =	smul.u32 $0xF7A, s1;
	s8 =	simm.s32 @!p0 $0x1BF5;
	p2 =	por !p2, p0  }
0x20: {  	[sflag:s8] =	ssyncset.s32 @!p0 $0xFFFFF086;
	s6 =	sadd.s32 @!p0 s3, s7;
	s7 =	simm.s32 @!p0 $0x108  }
0x21: {  	s3 =	sadd.s32 s3, s9;
	s6 =	sadd.s32 @!p0 $0x88, s6;
	s7 =	simm.s32 @p2 $0x1082  }
0x22: {  	[simem:s7], [sflag:s8] =	dma.local @!p0 [hbm:s6], $0xF7A  }
0x23: {  	s9 =	sor.u32 $0xD0000000, s2;
	s6 =	simm.s32 $0x108;
	_ =	swait.ge @!p0 [sflag:s8], $0x0  }
0x24: {  	s3 =	sadd.s32 $0x88, s3;
	s6 =	simm.s32 @!p1 $0x1082;
	[sflag:s4] =	ssyncset.s32 $0xFFFFF086  }
0x25: {  	[simem:s6], [sflag:s4] =	dma.local [hbm:s3], $0xF7A  }
0x26: {  	[smem:$0x3F9F] =	sst s1;
	(tag) =	ssettag s2;
	_ =	strace s9  }
0x27: {  	s1 =	sld [smem:$0x3FAF]  }
0x28: {  	s2 =	sld [smem:$0x3FB0]  }
0x29: {  	s4 =	sld [smem:$0x3FB2]  }
0x2a: {  	p0 =	seq.s32 s5, $0x0;
	s5 =	sld [smem:$0x3FB3]  }
0x2b: {  	s6 =	sld [smem:$0x3FB4]  }
0x2c: {  	s7 =	sld [smem:$0x3FB5]  }
0x2d: {  	s3 =	simm.s32 $0x108;
	s8 =	sld [smem:$0x3FB6]  }
0x2e: {  	s3 =	simm.s32 @!p0 $0x1082;
	s9 =	sld [smem:$0x3FB7]  }
0x2f: {  	lr =	sadd.s32 s0, s3;
	s0 =	sld [smem:$0x3FAE]  }
0x30: {  	s3 =	sld [smem:$0x3FB1]  }
0x31: {  	[smem:$0x3FBA] =	sst s10  }
0x32: {  	s10 =	sld [smem:$0x3FB8];
	_ =	sdelay $0x3  }
0x33: {  	p0 =	seq.s32 s10, $0x1;
	s10 =	sld [smem:$0x3FBA];
	_ =	sdelay $0x3  }
0x34: {  	[smem:$0x3FBA] =	sst s10  }
0x35: {  	s10 =	sld [smem:$0x3FB9];
	_ =	sdelay $0x3  }
0x36: {  	p1 =	seq.s32 s10, $0x1;
	s10 =	sld [smem:$0x3FBA];
	_ =	sdelay $0x3  }
0x37: {  	[smem:$0x3FBA] =	sst s10  }
0x38: {  	s10 =	sld [smem:$0x3FBB]  }
0x39: {  	_ = 	snop;
	(pc) =	sbr.ind lr, $3  }
0x3a: {  	_ = 	snop  }
0x3b: {  	_ = 	snop  }
0x3c: {  	p2 =	seq.s32 s10, $0x1;
	s10 =	sld [smem:$0x3FBA]  }
0x3d: {  	_ =	shalt  }
0x3e: {  	_ =	shalt  }
0x3f: {  	_ =	shalt  }
0x40: {  	_ =	shalt  }
0x41: {  	_ =	shalt  }
0x42: {  	_ =	shalt  }
0x43: {  	_ =	shalt  }
0x44: {  	_ =	shalt  }
0x45: {  	_ =	shalt  }
0x46: {  	_ =	shalt  }
0x47: {  	_ =	shalt  }
0x48: {  	_ =	shalt  }
0x49: {  	_ =	shalt  }
0x4a: {  	_ =	shalt  }
0x4b: {  	_ =	shalt  }
0x4c: {  	_ =	shalt  }
0x4d: {  	_ =	shalt  }
0x4e: {  	_ =	shalt  }
0x4f: {  	_ =	shalt  }
0x50: {  	_ =	shalt  }
0x51: {  	_ =	shalt  }
0x52: {  	_ =	shalt  }
0x53: {  	_ =	shalt  }
0x54: {  	_ =	shalt  }
0x55: {  	_ =	shalt  }
0x56: {  	_ =	shalt  }
0x57: {  	_ =	shalt  }
0x58: {  	_ =	shalt  }
0x59: {  	_ =	shalt  }
0x5a: {  	_ =	shalt  }
0x5b: {  	_ =	shalt  }
0x5c: {  	_ =	shalt  }
0x5d: {  	_ =	shalt  }
0x5e: {  	_ =	shalt  }
0x5f: {  	_ =	shalt  }
0x60: {  	_ =	shalt  }
0x61: {  	_ =	shalt  }
0x62: {  	_ =	shalt  }
0x63: {  	_ =	shalt  }
0x64: {  	_ =	shalt  }
0x65: {  	_ =	shalt  }
0x66: {  	_ =	shalt  }
0x67: {  	_ =	shalt  }
0x68: {  	_ =	shalt  }
0x69: {  	_ =	shalt  }
0x6a: {  	_ =	shalt  }
0x6b: {  	_ =	shalt  }
0x6c: {  	_ =	shalt  }
0x6d: {  	_ =	shalt  }
0x6e: {  	_ =	shalt  }
0x6f: {  	_ =	shalt  }
0x70: {  	_ =	shalt  }
0x71: {  	_ =	shalt  }
0x72: {  	_ =	shalt  }
0x73: {  	_ =	shalt  }
0x74: {  	_ =	shalt  }
0x75: {  	_ =	shalt  }
0x76: {  	_ =	shalt  }
0x77: {  	_ =	shalt  }
0x78: {  	_ =	shalt  }
0x79: {  	_ =	shalt  }
0x7a: {  	_ =	shalt  }
0x7b: {  	_ =	shalt  }
0x7c: {  	_ =	shalt  }
0x7d: {  	_ =	shalt  }
0x7e: {  	_ =	shalt  }
0x7f: {  	_ =	shalt  }
0x80: {  	_ =	shalt  }
0x81: {  	_ =	shalt  }
0x82: {  	_ =	shalt  }
0x83: {  	_ =	shalt  }
0x84: {  	_ =	shalt  }
0x85: {  	_ =	shalt  }
0x86: {  	_ =	shalt  }
0x87: {  	_ =	shalt  }
.Lfunc_end0:
.L_simem_size_0:
called_computation_lowered:
.L_overlay_start_0:
0x88: {  	s2 =	sld [smem:$0x3FD9]  }
0x89: {  	s3 =	sld [smem:$0x3FFE];
	_ =	sdelay $0x1  }
0x8a: {  	s1 =	srdreg.scid  }
0x8b: {  	s0 =	sand.u32 $0x1, s1  }
0x8c: {  	s17 =	sshll.u32 s0, $0xA;
	s2 =	sadd.s32 s3, s2  }
0x8d: {  	s2 =	sadd.s32 s2, s17  }
0x8e: {  	[smem:$0x3FC6] =	sst s2  }
0x8f: {  	_ = 	snop  }
0x90: {  	s2 =	sld [smem:$0x3FC8]  }
0x91: {  	s18 =	sld [smem:$0x3FD0];
	(tm) =	ssettm $0x1  }
0x92: {  	s4 =	sld [smem:$0x3FFB];
	_ =	sdelay $0x3  }
0x93: {  	_ =	strace s4  }
0x94: {  	s4 =	sld [smem:$0x3FFC];
	_ =	sdelay $0x3  }
0x95: {  	_ =	strace s4  }
0x96: {  	s4 =	sld [smem:$0x3FFD];
	_ =	sdelay $0x3  }
0x97: {  	_ =	strace s4  }
0x98: {  	_ =	strace $0x8FFFFFFF  }
0x99: {  	s19 =	sld [smem:$0x3FDB];
	_ =	sdelay $0x1  }
0x9a: {  	s5 =	simm.s32 $_scs_section_size  }
0x9b: {  	s6 =	simm.s32 $_size__tile_overlayer_lowered;
	s7 =	simm.s32 $_tile_overlayer_lowered  }
0x9c: {  	s22 =	simm.s32 $0x1BFF;
	s21 =	sshll.u32 s7, $0x1;
	s4 =	sadd.s32 s5, s19  }
0x9d: {  	s8 =	simm.s32 $0x0;
	s20 =	sshll.u32 s6, $0x1;
	s6 =	sadd.s32 s21, s4  }
0x9e: {  	[timem:s8], [sflag:s22] =	dma.local [hbm:s6], s20  }
0x9f: {  	_ =	swait.ge [sflag:s22], s20  }
0xa0: {  	s5 =	ssub.s32 $0x0, s20;
	[sflag:s22] =	ssyncset.done $0x0  }
0xa1: {  	[sflag:s22] =	ssyncadd.s32 s5;
	_ =	sdelay $0x1  }
0xa2: {  	s23 =	simm.s32 $0x1B8B  }
0xa3: {  	_ =	swait.ge [sflag:s23], $0x1  }
0xa4: {  	[sflag:s23] =	ssyncset.done $0x0  }
0xa5: {  	s25 =	simm.s32 $0x1B8E;
	s24 =	sld [smem:$0x3FFE];
	[sflag:s23] =	ssyncadd.s32 $0xFFFFFFFF  }
0xa6: {  	s26 =	simm.s32 $execute0_lowered;
	[smem:$0x3FD2] =	sst s25  }
0xa7: {  	s6 =	sshll.u32 s26, $0x1;
	_ =	strace $0x80000046;
	[dreg:$0x1] =	wrdreg $0xFFFFFFFF  }
0xa8: {  	s28 =	simm.s32 $_size_execute0_lowered;
	s4 =	sadd.s32 s4, s6;
	[dreg:$0x0] =	wrdreg $0x0  }
0xa9: {  	s6 =	sshll.u32 s28, $0x1;
	[dreg:$0x2] =	wrdreg s4  }
0xaa: {  	[dreg:$0x3] =	wrdreg s6  }
0xab: {  	[dreg:$0x4] =	wrdreg $0xC0  }
0xac: {  	_ =	task [dreg:s8], $0x5FFFF  }
0xad: {  	[dreg:$0x1] =	wrdreg $0xFFFFFFFF  }
0xae: {  	[dreg:$0x0] =	wrdreg $0x60  }
0xaf: {  	[dreg:$0x2] =	wrdreg s24  }
0xb0: {  	[dreg:$0x3] =	wrdreg s2  }
0xb1: {  	[dreg:$0x4] =	wrdreg s18  }
0xb2: {  	[dreg:$0x5] =	wrdreg $0x9  }
0xb3: {  	_ =	task.clear_ibuf [dreg:s8], $0x6FFFF;
	_ =	strace $0x90000046  }
0xb4: {  	s29 =	simm.s32 $0x9;
	_ =	strace $0x80000048  }
0xb5: {  	_ =	swait.ge [sflag:s29], $0x1  }
0xb6: {  	[sflag:s29] =	ssyncadd.s32 $0xFFFFFFFF  }
0xb7: {  	_ =	strace $0x90000048  }
0xb8: {  	_ =	sfence  }
0xb9: {  	s30 =	sld [smem:$0x0];
	_ =	sdelay $0x2  }
0xba: {  	s31 =	sshll.u32 s1, $0xD;
	s1 =	sshrl.u32 s1, $0x2  }
0xbb: {  	s3 =	sand.u32 $0x4000, s31;
	s1 =	sadd.s32 s1, s30  }
0xbc: {  	s0 =	sor.u32 s3, s0;
	s1 =	sshll.u32 s1, $0x11  }
0xbd: {  	s0 =	sor.u32 s1, s0  }
0xbe: {  	s0 =	sadd.s32 $0x8F2B, s0  }
0xbf: {  	[sflag:s0] =	ssyncadd.remote.s32 $0x1  }
0xc0: {  	_ =	sfence.sel $0xFFFF  }
0xc1: {  	[dreg:$0x0] =	wrdreg $0xFFFFFFFF;
	(pc) =	sbr.abs _section_cstart, $3  }
0xc2: {  	[dreg:$0x1] =	wrdreg $0xFFFFFFFF  }
0xc3: {  	_ =	task.clear_ibuf [dreg:s8], $0x2FFFF;
	_ =	strace $0x9FFFFFFF  }
0xc4: {  	(tm) =	ssettm $0x7FFFFFFF  }
0xc5: {  	_ =	shalt  }
tec
execute0_lowered:
.L_overlay_start_1:
0x0: {  	(tag) =	ssettag $0x1  }
0x1: {  	s0 =	rddreg [dreg:$0x0];
	s1 =	srdreg.scid  }
0x2: {  	s8 =	stileid.u32;
	s2 =	rddreg [dreg:$0x1]  }
0x3: {  	s4 =	rddreg [dreg:$0x2];
	s13 =	simm.s32 $0x50;
	s14 =	simm.s32 $0x2800  }
0x4: {  	s12 =	simm.s32 $0x5000;
	s16 =	simm.s32 $0xA000;
	s31 =	simm.s32 $0x16800  }
0x5: {  	s15 =	simm.s32 $0x1;
	s28 =	simm.s32 $0x6;
	s30 =	simm.s32 $0xC  }
0x6: {  	s9 =	simm.s32 $0xF;
	s11 =	simm.s32 $0x0;
	s29 =	simm.s32 $0xF000  }
0x7: {  	s1 =	sand.u32 $0x1, s1;
	s3 =	sshll.u32 s8, $0x1;
	s18 =	smul.u32 $0x32000, s8  }
0x8: {  	s8 =	simm.s32 $0xE;
	s5 =	sor.u32 s1, s3;
	s20 =	smul.u32 $0x19000, s1  }
0x9: {  	s3 =	simm.s32 $0x0;
	s7 =	ssub.s32 $0x2, s1;
	s6 =	smul.u32 $0x500, s5  }
0xa: {  	s1 =	simm.s32 $0x7;
	[smem:$0x7FF] =	sst s3;
	s5 =	smul.u32 $0xC8000, s5  }
0xb: {  	s17 =	sshrl.u32 s7, $0x1;
	s23 =	sadd.s32 s18, s4;
	s18 =	simm.s32 $0x7800  }
0xc: {  	_ =	strace $0x80000047;
	s0 =	sadd.s32 s6, s0;
	s5 =	sshrl.u32 s5, $0x3  }
0xd: {  	s6 =	ssub.s32 s7, s17;
	s17 =	simm.s32 $0x2;
	s7 =	simm.s32 $0xA  }
0xe: {  	s5 =	sadd.s32 s4, s5;
	s0 =	sadd.s32 $0x400, s0;
	s26 =	smax.u32 s6, $0x1  }
0xf: {  	s4 =	simm.s32 $0x8;
	s6 =	simm.s32 $0x9;
	[dreg:$0x4] =	wrdreg s0  }
0x10: {  	s19 =	sadd.s32 $0x15E00, s5;
	s21 =	sadd.s32 $0x16800, s5;
	[dreg:$0xa] =	wrdreg s26  }
0x11: {  	s22 =	sadd.s32 $0x17200, s5;
	s24 =	sadd.s32 $0x17C00, s5;
	[dreg:$0x5] =	wrdreg s19  }
0x12: {  	s25 =	sadd.s32 $0x18600, s5;
	s0 =	sadd.s32 s20, s23;
	[dreg:$0x6] =	wrdreg s21  }
0x13: {  	s20 =	simm.s32 $0xF000;
	s26 =	simm.s32 $0x11800;
	[dreg:$0x7] =	wrdreg s22  }
0x14: {  	s23 =	simm.s32 $0xB;
	s5 =	simm.s32 $0xD;
	[dreg:$0x8] =	wrdreg s24  }
0x15: {  	[dreg:$0x9] =	wrdreg s25;
	s0 =	sadd.s32 $0x2800, s0;
	s22 =	simm.s32 $0xC800  }
0x16: {  	s19 =	simm.s32 $0x3;
	s21 =	simm.s32 $0x4;
	s25 =	simm.s32 $0x5  }
0x17: {  	s24 =	simm.s32 $0xA000;
	[dreg:$0xb] =	wrdreg s0;
	s0 =	simm.s32 $0x14000  }
.LBB2_1:
0x18: {  	[dreg:$0xc] =	wrdreg s11  }
0x19: {  	s10 =	rddreg [dreg:$0x4];
	s11 =	simm.s32 $0x10  }
0x1a: {  	[tilespmem:s3], [sflag:$0x10] =	stream.linear.gather [hbm4b:s10+s3], $0x2800, $0x38;
	[tilespmem:$0x1B800] =	vst v63  }
0x1b: {  	_ =	swait.ge [sflag:s11], $0x2800  }
0x1c: {  	[sflag:s11] =	ssyncset.done $0x0  }
0x1d: {  	[sflag:s11] =	ssyncadd.s32 $0xFFFFD800  }
0x1e: {  	[tilespmem:s14], [sflag:$0x1] =	stream.indirect.gather [hbm4b:s2+s13], $0x80, s3, s13, $0xb8;
	[tilespmem:$0x1B800] =	vst v63  }
0x1f: {  	s11 =	simm.s32 $0x80  }
0x20: {  	[tilespmem:s12], [sflag:$0x2] =	stream.indirect.gather [hbm4b:s2+s13], $0x80, s11, s13, $0xb8;
	[tilespmem:$0x1B800] =	vst v63  }
0x21: {  	s11 =	simm.s32 $0x100  }
0x22: {  	[tilespmem:s18], [sflag:$0x3] =	stream.indirect.gather [hbm4b:s2+s13], $0x80, s11, s13, $0xb8;
	[tilespmem:$0x1B800] =	vst v63  }
0x23: {  	s11 =	simm.s32 $0x180  }
0x24: {  	[tilespmem:s16], [sflag:$0x4] =	stream.indirect.gather [hbm4b:s2+s13], $0x80, s11, s13, $0xb8;
	[tilespmem:$0x1B800] =	vst v63  }
0x25: {  	s11 =	simm.s32 $0x200  }
0x26: {  	[tilespmem:s22], [sflag:$0x5] =	stream.indirect.gather [hbm4b:s2+s13], $0x80, s11, s13, $0xb8;
	[tilespmem:$0x1B800] =	vst v63  }
0x27: {  	s11 =	simm.s32 $0x280  }
0x28: {  	[tilespmem:s20], [sflag:$0x6] =	stream.indirect.gather [hbm4b:s2+s13], $0x80, s11, s13, $0xb8;
	[tilespmem:$0x1B800] =	vst v63  }
0x29: {  	s11 =	simm.s32 $0x300  }
0x2a: {  	[tilespmem:s26], [sflag:$0x7] =	stream.indirect.gather [hbm4b:s2+s13], $0x80, s11, s13, $0xb8;
	[tilespmem:$0x1B800] =	vst v63  }
0x2b: {  	s11 =	simm.s32 $0x380  }
0x2c: {  	[tilespmem:s0], [sflag:$0x8] =	stream.indirect.gather [hbm4b:s2+s13], $0x80, s11, s13, $0xb8;
	[tilespmem:$0x1B800] =	vst v63  }
0x2d: {  	s11 =	simm.s32 $0x400  }
0x2e: {  	[tilespmem:s31], [sflag:$0x9] =	stream.indirect.gather [hbm4b:s2+s13], $0x80, s11, s13, $0xb8;
	[tilespmem:$0x1B800] =	vst v63  }
0x2f: {  	s10 =	simm.s32 $0x480;
	s11 =	simm.s32 $0x19000  }
0x30: {  	[tilespmem:s11], [sflag:$0xA] =	stream.indirect.gather [hbm4b:s2+s13], $0x80, s10, s13, $0xb8;
	[tilespmem:$0x1B800] =	vst v63  }
0x31: {  	_ =	swait.ge [sflag:s15], $0x2800  }
0x32: {  	[sflag:s15] =	ssyncset.done $0x0  }
0x33: {  	[sflag:s15] =	ssyncadd.s32 $0xFFFFD800  }
0x34: {  	_ =	swait.ge [sflag:s17], $0x2800  }
0x35: {  	[sflag:s17] =	ssyncset.done $0x0;
	s11 =	rddreg [dreg:$0xb]  }
0x36: {  	[sflag:s17] =	ssyncadd.s32 $0xFFFFD800;
	s10 =	sadd.s32 $0xFFFFD800, s11  }
0x37: {  	[hbm4b:s10+s3] =	stream.linear.scatter [tilespmem:s14], [sflag:$0xB], $0x5000, $0x38;
	[tilespmem:$0x1B800] =	vst v63  }
0x38: {  	_ =	swait.ge [sflag:s19], $0x2800  }
0x39: {  	[sflag:s19] =	ssyncset.done $0x0  }
0x3a: {  	[sflag:s19] =	ssyncadd.s32 $0xFFFFD800  }
0x3b: {  	_ =	swait.ge [sflag:s21], $0x2800  }
0x3c: {  	[sflag:s21] =	ssyncset.done $0x0  }
0x3d: {  	s10 =	sadd.s32 $0xFFFFE200, s11;
	[sflag:s21] =	ssyncadd.s32 $0xFFFFD800  }
0x3e: {  	[hbm4b:s10+s3] =	stream.linear.scatter [tilespmem:s18], [sflag:$0xC], $0x5000, $0x38;
	[tilespmem:$0x1B800] =	vst v63  }
0x3f: {  	_ =	swait.ge [sflag:s23], $0x5000  }
0x40: {  	[sflag:s23] =	ssyncset.done $0x0  }
0x41: {  	s10 =	simm.s32 $0x500;
	[sflag:s23] =	ssyncadd.s32 $0xFFFFB000  }
0x42: {  	[tilespmem:s14], [sflag:$0x1] =	stream.indirect.gather [hbm4b:s2+s13], $0x80, s10, s13, $0xb8;
	[tilespmem:$0x1B800] =	vst v63  }
0x43: {  	s10 =	simm.s32 $0x580  }
0x44: {  	[tilespmem:s12], [sflag:$0x2] =	stream.indirect.gather [hbm4b:s2+s13], $0x80, s10, s13, $0xb8;
	[tilespmem:$0x1B800] =	vst v63  }
0x45: {  	_ =	swait.ge [sflag:s25], $0x2800  }
0x46: {  	[sflag:s25] =	ssyncset.done $0x0  }
0x47: {  	[sflag:s25] =	ssyncadd.s32 $0xFFFFD800  }
0x48: {  	_ =	swait.ge [sflag:s28], $0x2800  }
0x49: {  	[sflag:s28] =	ssyncset.done $0x0  }
0x4a: {  	s12 =	sadd.s32 $0xFFFFEC00, s11;
	[sflag:s28] =	ssyncadd.s32 $0xFFFFD800  }
0x4b: {  	[hbm4b:s12+s3] =	stream.linear.scatter [tilespmem:s22], [sflag:$0xD], $0x5000, $0x38;
	[tilespmem:$0x1B800] =	vst v63  }
0x4c: {  	_ =	swait.ge [sflag:s30], $0x5000  }
0x4d: {  	[sflag:s30] =	ssyncset.done $0x0  }
0x4e: {  	s12 =	simm.s32 $0x600;
	[sflag:s30] =	ssyncadd.s32 $0xFFFFB000  }
0x4f: {  	[tilespmem:s18], [sflag:$0x3] =	stream.indirect.gather [hbm4b:s2+s13], $0x80, s12, s13, $0xb8;
	[tilespmem:$0x1B800] =	vst v63  }
0x50: {  	s12 =	simm.s32 $0x680  }
0x51: {  	[tilespmem:s16], [sflag:$0x4] =	stream.indirect.gather [hbm4b:s2+s13], $0x80, s12, s13, $0xb8;
	[tilespmem:$0x1B800] =	vst v63  }
0x52: {  	_ =	swait.ge [sflag:s1], $0x2800  }
0x53: {  	[sflag:s1] =	ssyncset.done $0x0  }
0x54: {  	[sflag:s1] =	ssyncadd.s32 $0xFFFFD800  }
0x55: {  	_ =	swait.ge [sflag:s4], $0x2800  }
0x56: {  	[sflag:s4] =	ssyncset.done $0x0  }
0x57: {  	s16 =	sadd.s32 $0xFFFFF600, s11;
	[sflag:s4] =	ssyncadd.s32 $0xFFFFD800  }
0x58: {  	[hbm4b:s16+s3] =	stream.linear.scatter [tilespmem:s26], [sflag:$0xE], $0x5000, $0x38;
	[tilespmem:$0x1B800] =	vst v63  }
0x59: {  	_ =	swait.ge [sflag:s5], $0x5000  }
0x5a: {  	[sflag:s5] =	ssyncset.done $0x0  }
0x5b: {  	s12 =	simm.s32 $0x700;
	[sflag:s5] =	ssyncadd.s32 $0xFFFFB000  }
0x5c: {  	[tilespmem:s22], [sflag:$0x5] =	stream.indirect.gather [hbm4b:s2+s13], $0x80, s12, s13, $0xb8;
	[tilespmem:$0x1B800] =	vst v63  }
0x5d: {  	s16 =	simm.s32 $0x780  }
0x5e: {  	[tilespmem:s20], [sflag:$0x6] =	stream.indirect.gather [hbm4b:s2+s13], $0x80, s16, s13, $0xb8;
	[tilespmem:$0x1B800] =	vst v63  }
0x5f: {  	_ =	swait.ge [sflag:s6], $0x2800  }
0x60: {  	[sflag:s6] =	ssyncset.done $0x0  }
0x61: {  	[sflag:s6] =	ssyncadd.s32 $0xFFFFD800  }
0x62: {  	_ =	swait.ge [sflag:s7], $0x2800  }
0x63: {  	[sflag:s7] =	ssyncset.done $0x0  }
0x64: {  	[sflag:s7] =	ssyncadd.s32 $0xFFFFD800  }
0x65: {  	[hbm4b:s11+s3] =	stream.linear.scatter [tilespmem:s31], [sflag:$0xF], $0x5000, $0x38;
	[tilespmem:$0x1B800] =	vst v63  }
0x66: {  	_ =	swait.ge [sflag:s8], $0x5000  }
0x67: {  	[sflag:s8] =	ssyncset.done $0x0  }
0x68: {  	s12 =	simm.s32 $0x800;
	[sflag:s8] =	ssyncadd.s32 $0xFFFFB000  }
0x69: {  	[tilespmem:s26], [sflag:$0x7] =	stream.indirect.gather [hbm4b:s2+s13], $0x80, s12, s13, $0xb8;
	[tilespmem:$0x1B800] =	vst v63  }
0x6a: {  	s16 =	simm.s32 $0x880  }
0x6b: {  	[tilespmem:s0], [sflag:$0x8] =	stream.indirect.gather [hbm4b:s2+s13], $0x80, s16, s13, $0xb8;
	[tilespmem:$0x1B800] =	vst v63  }
0x6c: {  	_ =	swait.ge [sflag:s9], $0x5000  }
0x6d: {  	s10 =	simm.s32 $0x980;
	[sflag:s9] =	ssyncset.done $0x0  }
0x6e: {  	s20 =	simm.s32 $0x900;
	s11 =	sadd.s32 $0x3200, s11;
	[sflag:s9] =	ssyncadd.s32 $0xFFFFB000  }
0x6f: {  	[tilespmem:s31], [sflag:$0x9] =	stream.indirect.gather [hbm4b:s2+s13], $0x80, s20, s13, $0xb8;
	[tilespmem:$0x1B800] =	vst v63  }
0x70: {  	s12 =	simm.s32 $0x1400;
	s0 =	simm.s32 $0x14000;
	s20 =	simm.s32 $0x5000  }
.LBB2_2:
0x71: {  	s16 =	simm.s32 $0x19000  }
0x72: {  	[tilespmem:s16], [sflag:$0xA] =	stream.indirect.gather [hbm4b:s2+s13], $0x80, s10, s13, $0xb8;
	[tilespmem:$0x1B800] =	vst v63  }
0x73: {  	s10 =	smov.u32 s12  }
0x74: {  	p0 =	sne.s32 s12, $0x7800;
	s12 =	sadd.s32 $0x1400, s12;
	_ =	swait.ge [sflag:s15], $0x2800  }
0x75: {  	[sflag:s15] =	ssyncset.done $0x0  }
0x76: {  	[sflag:s15] =	ssyncadd.s32 $0xFFFFD800  }
0x77: {  	_ =	swait.ge [sflag:s17], $0x2800  }
0x78: {  	[sflag:s17] =	ssyncset.done $0x0  }
0x79: {  	s16 =	sadd.s32 $0xFFFFD800, s11;
	[sflag:s17] =	ssyncadd.s32 $0xFFFFD800  }
0x7a: {  	[hbm4b:s16+s3] =	stream.linear.scatter [tilespmem:s14], [sflag:$0xB], $0x5000, $0x38;
	[tilespmem:$0x1B800] =	vst v63  }
0x7b: {  	_ =	swait.ge [sflag:s19], $0x2800  }
0x7c: {  	[sflag:s19] =	ssyncset.done $0x0  }
0x7d: {  	[sflag:s19] =	ssyncadd.s32 $0xFFFFD800  }
0x7e: {  	_ =	swait.ge [sflag:s21], $0x2800  }
0x7f: {  	[sflag:s21] =	ssyncset.done $0x0  }
0x80: {  	s16 =	sadd.s32 $0xFFFFE200, s11;
	[sflag:s21] =	ssyncadd.s32 $0xFFFFD800  }
0x81: {  	[hbm4b:s16+s3] =	stream.linear.scatter [tilespmem:s18], [sflag:$0xC], $0x5000, $0x38;
	[tilespmem:$0x1B800] =	vst v63  }
0x82: {  	_ =	swait.ge [sflag:s23], $0x5000  }
0x83: {  	s10 =	sshra.s32 s10, $0x2;
	[sflag:s23] =	ssyncset.done $0x0  }
0x84: {  	s16 =	sadd.s32 $0x500, s10;
	[sflag:s23] =	ssyncadd.s32 $0xFFFFB000  }
0x85: {  	[tilespmem:s14], [sflag:$0x1] =	stream.indirect.gather [hbm4b:s2+s13], $0x80, s16, s13, $0xb8;
	[tilespmem:$0x1B800] =	vst v63  }
0x86: {  	s16 =	sadd.s32 $0x580, s10  }
0x87: {  	[tilespmem:s20], [sflag:$0x2] =	stream.indirect.gather [hbm4b:s2+s13], $0x80, s16, s13, $0xb8;
	[tilespmem:$0x1B800] =	vst v63  }
0x88: {  	_ =	swait.ge [sflag:s25], $0x2800  }
0x89: {  	[sflag:s25] =	ssyncset.done $0x0  }
0x8a: {  	[sflag:s25] =	ssyncadd.s32 $0xFFFFD800  }
0x8b: {  	_ =	swait.ge [sflag:s28], $0x2800  }
0x8c: {  	[sflag:s28] =	ssyncset.done $0x0  }
0x8d: {  	s16 =	sadd.s32 $0xFFFFEC00, s11;
	[sflag:s28] =	ssyncadd.s32 $0xFFFFD800  }
0x8e: {  	[hbm4b:s16+s3] =	stream.linear.scatter [tilespmem:s22], [sflag:$0xD], $0x5000, $0x38;
	[tilespmem:$0x1B800] =	vst v63  }
0x8f: {  	_ =	swait.ge [sflag:s30], $0x5000  }
0x90: {  	[sflag:s30] =	ssyncset.done $0x0  }
0x91: {  	s16 =	sadd.s32 $0x600, s10;
	[sflag:s30] =	ssyncadd.s32 $0xFFFFB000  }
0x92: {  	[tilespmem:s18], [sflag:$0x3] =	stream.indirect.gather [hbm4b:s2+s13], $0x80, s16, s13, $0xb8;
	[tilespmem:$0x1B800] =	vst v63  }
0x93: {  	s16 =	sadd.s32 $0x680, s10  }
0x94: {  	[tilespmem:s24], [sflag:$0x4] =	stream.indirect.gather [hbm4b:s2+s13], $0x80, s16, s13, $0xb8;
	[tilespmem:$0x1B800] =	vst v63  }
0x95: {  	_ =	swait.ge [sflag:s1], $0x2800  }
0x96: {  	[sflag:s1] =	ssyncset.done $0x0  }
0x97: {  	[sflag:s1] =	ssyncadd.s32 $0xFFFFD800  }
0x98: {  	_ =	swait.ge [sflag:s4], $0x2800  }
0x99: {  	[sflag:s4] =	ssyncset.done $0x0  }
0x9a: {  	s16 =	sadd.s32 $0xFFFFF600, s11;
	[sflag:s4] =	ssyncadd.s32 $0xFFFFD800  }
0x9b: {  	[hbm4b:s16+s3] =	stream.linear.scatter [tilespmem:s26], [sflag:$0xE], $0x5000, $0x38;
	[tilespmem:$0x1B800] =	vst v63  }
0x9c: {  	_ =	swait.ge [sflag:s5], $0x5000  }
0x9d: {  	[sflag:s5] =	ssyncset.done $0x0  }
0x9e: {  	s16 =	sadd.s32 $0x700, s10;
	[sflag:s5] =	ssyncadd.s32 $0xFFFFB000  }
0x9f: {  	[tilespmem:s22], [sflag:$0x5] =	stream.indirect.gather [hbm4b:s2+s13], $0x80, s16, s13, $0xb8;
	[tilespmem:$0x1B800] =	vst v63  }
0xa0: {  	s16 =	sadd.s32 $0x780, s10  }
0xa1: {  	[tilespmem:s29], [sflag:$0x6] =	stream.indirect.gather [hbm4b:s2+s13], $0x80, s16, s13, $0xb8;
	[tilespmem:$0x1B800] =	vst v63  }
0xa2: {  	_ =	swait.ge [sflag:s6], $0x2800  }
0xa3: {  	[sflag:s6] =	ssyncset.done $0x0  }
0xa4: {  	[sflag:s6] =	ssyncadd.s32 $0xFFFFD800  }
0xa5: {  	_ =	swait.ge [sflag:s7], $0x2800  }
0xa6: {  	[sflag:s7] =	ssyncset.done $0x0  }
0xa7: {  	[sflag:s7] =	ssyncadd.s32 $0xFFFFD800  }
0xa8: {  	[hbm4b:s11+s3] =	stream.linear.scatter [tilespmem:s31], [sflag:$0xF], $0x5000, $0x38;
	[tilespmem:$0x1B800] =	vst v63  }
0xa9: {  	_ =	swait.ge [sflag:s8], $0x5000  }
0xaa: {  	[sflag:s8] =	ssyncset.done $0x0  }
0xab: {  	s16 =	sadd.s32 $0x800, s10;
	[sflag:s8] =	ssyncadd.s32 $0xFFFFB000  }
0xac: {  	[tilespmem:s26], [sflag:$0x7] =	stream.indirect.gather [hbm4b:s2+s13], $0x80, s16, s13, $0xb8;
	[tilespmem:$0x1B800] =	vst v63  }
0xad: {  	s16 =	sadd.s32 $0x880, s10  }
0xae: {  	[tilespmem:s0], [sflag:$0x8] =	stream.indirect.gather [hbm4b:s2+s13], $0x80, s16, s13, $0xb8;
	[tilespmem:$0x1B800] =	vst v63  }
.Ltmp0:
0xaf: {  	_ =	swait.ge [sflag:s9], $0x5000;
	(pc) =	sbr.rel @p0 .LBB2_2-.Ltmp0, $4  }
0xb0: {  	[sflag:s9] =	ssyncset.done $0x0  }
0xb1: {  	s16 =	sadd.s32 $0x900, s10;
	[sflag:s9] =	ssyncadd.s32 $0xFFFFB000  }
0xb2: {  	[tilespmem:s31], [sflag:$0x9] =	stream.indirect.gather [hbm4b:s2+s13], $0x80, s16, s13, $0xb8;
	[tilespmem:$0x1B800] =	vst v63  }
0xb3: {  	s11 =	sadd.s32 $0x3200, s11;
	s10 =	sadd.s32 $0x980, s10  }
0xb4: {  	s0 =	simm.s32 $0x19000  }
0xb5: {  	[tilespmem:s0], [sflag:$0xA] =	stream.indirect.gather [hbm4b:s2+s13], $0x80, s10, s13, $0xb8;
	[tilespmem:$0x1B800] =	vst v63  }
0xb6: {  	_ =	swait.ge [sflag:s15], $0x2800  }
0xb7: {  	[sflag:s15] =	ssyncset.done $0x0  }
0xb8: {  	[sflag:s15] =	ssyncadd.s32 $0xFFFFD800  }
0xb9: {  	_ =	swait.ge [sflag:s17], $0x2800  }
0xba: {  	[sflag:s17] =	ssyncset.done $0x0  }
0xbb: {  	s20 =	rddreg [dreg:$0x5];
	[sflag:s17] =	ssyncadd.s32 $0xFFFFD800  }
0xbc: {  	[hbm4b:s20+s3] =	stream.linear.scatter [tilespmem:s14], [sflag:$0xB], $0x5000, $0x38;
	[tilespmem:$0x1B800] =	vst v63  }
0xbd: {  	_ =	swait.ge [sflag:s19], $0x2800  }
0xbe: {  	[sflag:s19] =	ssyncset.done $0x0  }
0xbf: {  	[sflag:s19] =	ssyncadd.s32 $0xFFFFD800  }
0xc0: {  	_ =	swait.ge [sflag:s21], $0x2800  }
0xc1: {  	[sflag:s21] =	ssyncset.done $0x0  }
0xc2: {  	s0 =	rddreg [dreg:$0x6];
	[sflag:s21] =	ssyncadd.s32 $0xFFFFD800  }
0xc3: {  	[hbm4b:s0+s3] =	stream.linear.scatter [tilespmem:s18], [sflag:$0xC], $0x5000, $0x38;
	[tilespmem:$0x1B800] =	vst v63  }
0xc4: {  	_ =	swait.ge [sflag:s25], $0x2800  }
0xc5: {  	[sflag:s25] =	ssyncset.done $0x0  }
0xc6: {  	[sflag:s25] =	ssyncadd.s32 $0xFFFFD800  }
0xc7: {  	_ =	swait.ge [sflag:s28], $0x2800  }
0xc8: {  	[sflag:s28] =	ssyncset.done $0x0  }
0xc9: {  	s11 =	rddreg [dreg:$0x7];
	[sflag:s28] =	ssyncadd.s32 $0xFFFFD800  }
0xca: {  	[hbm4b:s11+s3] =	stream.linear.scatter [tilespmem:s22], [sflag:$0xD], $0x5000, $0x38;
	[tilespmem:$0x1B800] =	vst v63  }
0xcb: {  	_ =	swait.ge [sflag:s1], $0x2800  }
0xcc: {  	[sflag:s1] =	ssyncset.done $0x0  }
0xcd: {  	[sflag:s1] =	ssyncadd.s32 $0xFFFFD800  }
0xce: {  	_ =	swait.ge [sflag:s4], $0x2800  }
0xcf: {  	[sflag:s4] =	ssyncset.done $0x0  }
0xd0: {  	s12 =	rddreg [dreg:$0x8];
	[sflag:s4] =	ssyncadd.s32 $0xFFFFD800  }
0xd1: {  	[hbm4b:s12+s3] =	stream.linear.scatter [tilespmem:s26], [sflag:$0xE], $0x5000, $0x38;
	[tilespmem:$0x1B800] =	vst v63  }
0xd2: {  	_ =	swait.ge [sflag:s6], $0x2800  }
0xd3: {  	[sflag:s6] =	ssyncset.done $0x0  }
0xd4: {  	[sflag:s6] =	ssyncadd.s32 $0xFFFFD800  }
0xd5: {  	_ =	swait.ge [sflag:s7], $0x2800  }
0xd6: {  	[sflag:s7] =	ssyncset.done $0x0  }
0xd7: {  	s16 =	rddreg [dreg:$0x9];
	[sflag:s7] =	ssyncadd.s32 $0xFFFFD800  }
0xd8: {  	[hbm4b:s16+s3] =	stream.linear.scatter [tilespmem:s31], [sflag:$0xF], $0x5000, $0x38;
	[tilespmem:$0x1B800] =	vst v63  }
0xd9: {  	_ =	swait.ge [sflag:s23], $0x5000  }
0xda: {  	[sflag:s23] =	ssyncset.done $0x0  }
0xdb: {  	[sflag:s23] =	ssyncadd.s32 $0xFFFFB000  }
0xdc: {  	_ =	swait.ge [sflag:s30], $0x5000  }
0xdd: {  	[sflag:s30] =	ssyncset.done $0x0  }
0xde: {  	[sflag:s30] =	ssyncadd.s32 $0xFFFFB000  }
0xdf: {  	_ =	swait.ge [sflag:s5], $0x5000  }
0xe0: {  	[sflag:s5] =	ssyncset.done $0x0  }
0xe1: {  	[sflag:s5] =	ssyncadd.s32 $0xFFFFB000  }
0xe2: {  	_ =	swait.ge [sflag:s8], $0x5000  }
0xe3: {  	[sflag:s8] =	ssyncset.done $0x0  }
0xe4: {  	[sflag:s8] =	ssyncadd.s32 $0xFFFFB000  }
0xe5: {  	_ =	swait.ge [sflag:s9], $0x5000  }
0xe6: {  	s11 =	rddreg [dreg:$0xc]  }
0xe7: {  	s20 =	rddreg [dreg:$0xa];
	s11 =	sadd.s32 $0x1, s11  }
0xe8: {  	p0 =	sne.s32 s11, s20  }
.Ltmp1:
0xe9: {  	_ = 	snop;
	(pc) =	sbr.rel @p0 .LBB2_1-.Ltmp1, $3  }
0xea: {  	_ =	sdelay $0x1  }
0xeb: {  	s0 =	simm.s32 $0x14000;
	s12 =	simm.s32 $0x5000;
	[sflag:s9] =	ssyncset.done $0x0  }
0xec: {  	s16 =	simm.s32 $0xA000;
	[sflag:s9] =	ssyncadd.s32 $0xFFFFB000;
	s20 =	simm.s32 $0xF000  }
0xed: {  	_ =	sfence.sel $0x180000  }
0xee: {  	[bflag:$0x0] =	sbarrier.arrive $0xFFFF  }
0xef: {  	_ =	strace $0x90000047  }
0xf0: {  	s0 =	stileid.u32;
	[bflag:$0x2] =	sbarrier.arrive $0xFFFF  }
0xf1: {  	p0 =	sne.s32 s0, $0x0;
	s0 =	rddreg [dreg:$0x3]  }
0xf2: {  	s0 =	sadd.s32 @!p0 $0x100000, s0  }
0xf3: {  	[sflag:s0] =	ssyncadd.tile.s32 @!p0 $0x1;
	_ =	shalt  }
.Lfunc_end2:
_tile_overlayer_lowered:
.L_overlay_start_2:
0xf4: {  	(tag) =	ssettag $0x2  }
0xf5: {  	s0 =	rddreg [dreg:$0x0];
	s2 =	stileid.u32  }
0xf6: {  	s1 =	rddreg [dreg:$0x1];
	p0 =	sne.s32 s2, $0x0  }
0xf7: {  	s3 =	rddreg [dreg:$0x2];
	[bflag:$0x3] =	sbarrier.arrive $0xFFFF;
	s2 =	simm.s32 @!p0 $0x1C10  }
0xf8: {  	[timem:s3], [sflag:s2] =	dma.local @!p0 [hbm:s0], s1  }
0xf9: {  	s0 =	simm.s32 @!p0 $0x10  }
0xfa: {  	_ =	swait.ge @!p0 [sflag:s0], s1  }
0xfb: {  	s1 =	ssub.s32 @!p0 $0x0, s1;
	[sflag:s0] =	ssyncset.done @!p0 $0x0  }
0xfc: {  	[sflag:s0] =	ssyncadd.s32 @!p0 s1  }
0xfd: {  	[bflag:$0x3] =	sbarrier.arrive $0xFFFF  }
0xfe: {  	_ =	shalt  }

</sc_bundles>
